<compile_context>
chip_gen: v7x
topology: tpu7x:2x2x1
jax: 0.10.2.dev20260603
libtpu: 0.0.44.dev20260713+nightly
codegen_flags: <defaults>
</compile_context>

<pallas_src>
import jax
import jax.numpy as jnp
from jax import lax
from jax.experimental import pallas as pl
from jax.experimental.pallas import tpu as pltpu
from jax.experimental.pallas import tpu_sc as plsc

N0, N1, N2, N3, N4, N5, N6 = 10000, 5000, 2500, 1250, 625, 313, 157
CIN = 128
NE = 320000
NW = 32
EPT = 10240
NCHUNK = EPT // 128
NEP = EPT * NW
PAD_PER_TILE = EPT - NE // NW

S1_ROWS = 5120
S1_STRIPE = S1_ROWS // 16
C3_FLAT = 204800
C3_STRIPE = C3_FLAT // 16
S2_ROWS = 1280
H2_ROWS = 2560

_i32 = jnp.int32

_MESH = plsc.VectorSubcoreMesh(core_axis_name="c", subcore_axis_name="s")


def _sc_conv1_body(x_hbm, sd_hbm, z2d_hbm,
                   s1_out,
                   srcv, d1b, rows0, rows1, zb,
                   s1acc, sem0, sem1):
    cid = lax.axis_index("c")
    sid = lax.axis_index("s")
    wid = sid * _i32(2) + cid
    base = wid * _i32(EPT)

    pltpu.sync_copy(sd_hbm.at[pl.ds(base, EPT)], srcv)
    pltpu.sync_copy(z2d_hbm, zb)

    r0 = sid * _i32(S1_STRIPE)
    pltpu.sync_copy(zb, s1acc.at[pl.ds(r0, 128)])
    pltpu.sync_copy(zb, s1acc.at[pl.ds(r0 + _i32(128), 128)])
    pltpu.sync_copy(zb.at[pl.ds(0, S1_STRIPE - 256)],
                    s1acc.at[pl.ds(r0 + _i32(256), S1_STRIPE - 256)])

    def idx_body(j, _):
        off = pl.multiple_of(j * _i32(128), 128)
        for k in range(8):
            pck = srcv[pl.ds(off + _i32(k * 16), 16)]
            d = lax.shift_right_logical(pck, _i32(14))
            d1b[j, pl.ds(k * 16, 16)] = lax.shift_right_logical(d, _i32(1))
            srcv[pl.ds(off + _i32(k * 16), 16)] = pck & _i32(0x3FFF)
        return _i32(0)

    lax.fori_loop(_i32(0), _i32(NCHUNK), idx_body, _i32(0))
    plsc.subcore_barrier()

    def gather(j, buf, sem):
        off = pl.multiple_of(j * _i32(128), 128)
        pltpu.async_copy(x_hbm.at[srcv.at[pl.ds(off, 128)]], buf, sem)

    def wait(buf, sem):
        pltpu.make_async_copy(x_hbm.at[pl.ds(0, 128)], buf, sem).wait()

    def scatter(j, buf):
        pltpu.sync_copy(buf, s1acc.at[d1b.at[j]], add=True)

    gather(_i32(0), rows0, sem0)

    def main_body(i, _):
        j0 = i * _i32(2)
        gather(j0 + _i32(1), rows1, sem1)
        wait(rows0, sem0)
        scatter(j0, rows0)

        @pl.when(i < _i32(NCHUNK // 2 - 1))
        def _():
            gather(j0 + _i32(2), rows0, sem0)

        wait(rows1, sem1)
        scatter(j0 + _i32(1), rows1)
        return _i32(0)

    lax.fori_loop(_i32(0), _i32(NCHUNK // 2), main_body, _i32(0))
    plsc.subcore_barrier()

    pltpu.sync_copy(s1acc.at[pl.ds(r0, S1_STRIPE)],
                    s1_out.at[cid, pl.ds(r0, S1_STRIPE)])


@jax.jit
def _sc_conv1(x, sd_p):
    z2d = jnp.zeros((128, CIN), jnp.float32)
    return pl.kernel(
        _sc_conv1_body,
        out_type=jax.ShapeDtypeStruct((2, S1_ROWS, CIN), jnp.float32),
        mesh=_MESH,
        scratch_types=[
            pltpu.VMEM((EPT,), jnp.int32),
            pltpu.VMEM((NCHUNK, 128), jnp.int32),
            pltpu.VMEM((128, CIN), jnp.float32),
            pltpu.VMEM((128, CIN), jnp.float32),
            pltpu.VMEM((128, CIN), jnp.float32),
            pltpu.VMEM_SHARED((S1_ROWS, CIN), jnp.float32),
            pltpu.SemaphoreType.DMA,
            pltpu.SemaphoreType.DMA,
        ],
    )(x, sd_p, z2d)


def _sc_conv2_body(h2_hbm, sd_hbm, z64_hbm, z1d_hbm,
                   s2_out, c3_out,
                   srcv, d2b, c3b, rows0, rows1, onesv, zb, zb1,
                   s2acc, c3acc, sem0, sem1):
    cid = lax.axis_index("c")
    sid = lax.axis_index("s")
    wid = sid * _i32(2) + cid
    base = wid * _i32(EPT)

    pltpu.sync_copy(sd_hbm.at[pl.ds(base, EPT)], srcv)
    pltpu.sync_copy(z64_hbm, zb)
    pltpu.sync_copy(z1d_hbm, zb1)
    for k in range(8):
        onesv[pl.ds(k * 16, 16)] = jnp.ones((16,), jnp.float32)

    r0 = sid * _i32(S2_ROWS // 16)
    pltpu.sync_copy(zb.at[pl.ds(0, S2_ROWS // 16)],
                    s2acc.at[pl.ds(r0, S2_ROWS // 16)])
    f0 = sid * _i32(C3_STRIPE)
    pltpu.sync_copy(zb1, c3acc.at[pl.ds(f0, C3_STRIPE)])

    def idx_body(j, _):
        off = pl.multiple_of(j * _i32(128), 128)
        for k in range(8):
            pck = srcv[pl.ds(off + _i32(k * 16), 16)]
            sv = pck & _i32(0x3FFF)
            d = lax.shift_right_logical(pck, _i32(14))
            srcv[pl.ds(off + _i32(k * 16), 16)] = lax.shift_right_logical(
                sv, _i32(2))
            d2b[j, pl.ds(k * 16, 16)] = lax.shift_right_logical(d, _i32(3))
            s3 = lax.shift_right_logical(sv, _i32(4))
            c3 = lax.shift_right_logical(d, _i32(5)) * _i32(625) + s3
            c3b[j, pl.ds(k * 16, 16)] = jnp.where(
                d < _i32(N0), c3, _i32(196000) + s3)
        return _i32(0)

    lax.fori_loop(_i32(0), _i32(NCHUNK), idx_body, _i32(0))
    plsc.subcore_barrier()

    def gather(j, buf, sem):
        off = pl.multiple_of(j * _i32(128), 128)
        pltpu.async_copy(h2_hbm.at[srcv.at[pl.ds(off, 128)]], buf, sem)

    def wait(buf, sem):
        pltpu.make_async_copy(h2_hbm.at[pl.ds(0, 128)], buf, sem).wait()

    def scatter(j, buf):
        pltpu.sync_copy(buf, s2acc.at[d2b.at[j]], add=True)
        pltpu.sync_copy(onesv, c3acc.at[c3b.at[j]], add=True)

    gather(_i32(0), rows0, sem0)

    def main_body(i, _):
        j0 = i * _i32(2)
        gather(j0 + _i32(1), rows1, sem1)
        wait(rows0, sem0)
        scatter(j0, rows0)

        @pl.when(i < _i32(NCHUNK // 2 - 1))
        def _():
            gather(j0 + _i32(2), rows0, sem0)

        wait(rows1, sem1)
        scatter(j0 + _i32(1), rows1)
        return _i32(0)

    lax.fori_loop(_i32(0), _i32(NCHUNK // 2), main_body, _i32(0))
    plsc.subcore_barrier()

    pltpu.sync_copy(s2acc.at[pl.ds(r0, S2_ROWS // 16)],
                    s2_out.at[cid, pl.ds(r0, S2_ROWS // 16)])
    pltpu.sync_copy(c3acc.at[pl.ds(f0, C3_STRIPE)],
                    c3_out.at[cid, pl.ds(f0, C3_STRIPE)])


@jax.jit
def _sc_conv2(h2t, sd_p):
    z64 = jnp.zeros((128, 64), jnp.float32)
    z1d = jnp.zeros((C3_STRIPE,), jnp.float32)
    return pl.kernel(
        _sc_conv2_body,
        out_type=(
            jax.ShapeDtypeStruct((2, S2_ROWS, 64), jnp.float32),
            jax.ShapeDtypeStruct((2, C3_FLAT), jnp.float32),
        ),
        mesh=_MESH,
        scratch_types=[
            pltpu.VMEM((EPT,), jnp.int32),
            pltpu.VMEM((NCHUNK, 128), jnp.int32),
            pltpu.VMEM((NCHUNK, 128), jnp.int32),
            pltpu.VMEM((128, 64), jnp.float32),
            pltpu.VMEM((128, 64), jnp.float32),
            pltpu.VMEM((128,), jnp.float32),
            pltpu.VMEM((128, 64), jnp.float32),
            pltpu.VMEM((C3_STRIPE,), jnp.float32),
            pltpu.VMEM_SHARED((S2_ROWS, 64), jnp.float32),
            pltpu.VMEM_SHARED((C3_FLAT,), jnp.float32),
            pltpu.SemaphoreType.DMA,
            pltpu.SemaphoreType.DMA,
        ],
        compiler_params=pltpu.CompilerParams(use_tc_tiling_on_sc=False),
    )(h2t, sd_p, z64, z1d)


def _bn_relu(h, g, b):
    mu = jnp.mean(h, axis=0, keepdims=True)
    var = jnp.mean((h - mu) ** 2, axis=0, keepdims=True)
    return jnp.maximum((h - mu) * lax.rsqrt(var + 1e-5) * g + b, 0.0)


def _tc_b_body(s1_ref, xp_ref, w1_ref, w1s_ref, b1_ref, g1_ref, be1_ref,
               out_ref):
    s1 = s1_ref[0, :N1, :] + s1_ref[1, :N1, :]
    xp = xp_ref[...]
    px = xp[:, :CIN] + xp[:, CIN:]
    h = (jnp.dot(s1, w1_ref[...], preferred_element_type=jnp.float32,
             precision=lax.Precision.HIGHEST)
         + jnp.dot(px, w1s_ref[...], preferred_element_type=jnp.float32,
             precision=lax.Precision.HIGHEST)
         + b1_ref[...])
    out_ref[...] = _bn_relu(h, g1_ref[...], be1_ref[...])


@jax.jit
def _tc_b(s1p, xp, w1, w1s, b1, g1, be1):
    return pl.pallas_call(
        _tc_b_body,
        out_shape=jax.ShapeDtypeStruct((N1, 64), jnp.float32),
    )(s1p, xp, w1, w1s, b1, g1, be1)


def _tc_pool_body(h1r_ref, out_ref):
    h1r = h1r_ref[...]
    h2 = (h1r[:, :64] + h1r[:, 64:]) * 0.5
    out_ref[:N2, :] = h2
    out_ref[N2:, :] = jnp.zeros((H2_ROWS - N2, 64), jnp.float32)


@jax.jit
def _tc_pool(h1r):
    return pl.pallas_call(
        _tc_pool_body,
        out_shape=jax.ShapeDtypeStruct((H2_ROWS, 64), jnp.float32),
    )(h1r)


def _tc_d1_body(s2_ref, h1q_ref, w2_ref, w2s_ref, b2_ref, g2_ref, be2_ref,
                out_ref):
    f32 = jnp.float32
    s2 = s2_ref[0, :N3, :] + s2_ref[1, :N3, :]
    h1q = h1q_ref[...]
    p2 = (h1q[:, :64] + h1q[:, 64:128] + h1q[:, 128:192]
          + h1q[:, 192:]) * 0.5
    h = (jnp.dot(s2, w2_ref[...], preferred_element_type=f32,
             precision=lax.Precision.HIGHEST)
         + jnp.dot(p2, w2s_ref[...], preferred_element_type=f32,
             precision=lax.Precision.HIGHEST)
         + b2_ref[...])
    out_ref[...] = _bn_relu(h, g2_ref[...], be2_ref[...])


@jax.jit
def _tc_d1(s2p, h1q, w2, w2s, b2, g2, be2):
    return pl.pallas_call(
        _tc_d1_body,
        out_shape=jax.ShapeDtypeStruct((N3, 128), jnp.float32),
    )(s2p, h1q, w2, w2s, b2, g2, be2)


def _tc_d2_body(h3r_ref, h3q_ref, c3_ref, w3_ref, w3s_ref, b3_ref, g3_ref,
                be3_ref, out_ref):
    f32 = jnp.float32
    h3r = h3r_ref[...]
    h4 = (h3r[:, :128] + h3r[:, 128:]) * 0.5
    c3 = c3_ref[0] + c3_ref[1]
    m = jnp.dot(c3, h4, preferred_element_type=f32,
             precision=lax.Precision.HIGHEST)
    h3q = h3q_ref[...]
    p4 = (h3q[:, :128] + h3q[:, 128:256] + h3q[:, 256:384]
          + h3q[:, 384:]) * 0.5
    h = (jnp.dot(m, w3_ref[...], preferred_element_type=f32,
             precision=lax.Precision.HIGHEST)
         + jnp.dot(p4, w3s_ref[...], preferred_element_type=f32,
             precision=lax.Precision.HIGHEST)
         + b3_ref[...])
    out_ref[...] = _bn_relu(h, g3_ref[...], be3_ref[...])


@jax.jit
def _tc_d2(h3r, h3q, c3p, w3, w3s, b3, g3, be3):
    return pl.pallas_call(
        _tc_d2_body,
        out_shape=jax.ShapeDtypeStruct((N5, 256), jnp.float32),
    )(h3r, h3q, c3p, w3, w3s, b3, g3, be3)


def _tc_d3_body(gq_ref, b6_ref, wl_ref, bl_ref, out_ref):
    f32 = jnp.float32
    gq = gq_ref[...]
    s6 = gq[:, :256] + gq[:, 256:]
    ridx = lax.broadcasted_iota(jnp.int32, (N6, 1), 0)
    h6 = s6 * jnp.where(ridx < _i32(N6 - 1), f32(0.5), f32(1.0))
    b6 = b6_ref[...]
    parts = []
    for b in range(8):
        mb = jnp.where(b6 == _i32(b), h6, -jnp.inf)
        parts.append(jnp.max(mb, axis=0, keepdims=True))
    pooled = jnp.concatenate(parts, axis=0)
    pooled = jnp.where(jnp.isfinite(pooled), pooled, f32(0.0))
    out_ref[...] = (jnp.dot(pooled, wl_ref[...], preferred_element_type=f32,
             precision=lax.Precision.HIGHEST)
                    + bl_ref[...])


@jax.jit
def _tc_d3(gq, b6, wl, bl):
    return pl.pallas_call(
        _tc_d3_body,
        out_shape=jax.ShapeDtypeStruct((8, 40), jnp.float32),
    )(gq, b6, wl, bl)


def kernel(x, edge_index, batch_ids, W1, W1s, b1, g1, be1, W2, W2s, b2, g2,
           be2, W3, W3s, b3, g3, be3, Wl, bl):
    x = x.astype(jnp.float32)
    src = edge_index[0].astype(jnp.int32)
    dst = edge_index[1].astype(jnp.int32)

    k = jnp.arange(NEP - NE, dtype=jnp.int32)
    pad_sd = (k % N0) | ((N0 + (k % 16)) << 14)
    sd_p = jnp.concatenate([src | (dst << 14), pad_sd])

    s1p = _sc_conv1(x, sd_p)

    xp = x.reshape(N1, 2 * CIN)
    h1 = _tc_b(s1p, xp, W1, W1s, b1.reshape(1, 64), g1.reshape(1, 64),
               be1.reshape(1, 64))

    h1r = h1.reshape(N2, 128)
    h1q = h1.reshape(N3, 256)

    h2t = _tc_pool(h1r)
    s2p, c3p = _sc_conv2(h2t, sd_p)
    c3m = c3p[:, :N5 * N4].reshape(2, N5, N4)

    h3 = _tc_d1(s2p, h1q, W2, W2s, b2.reshape(1, 128), g2.reshape(1, 128),
                be2.reshape(1, 128))
    h3r = h3.reshape(N4, 256)
    h3q = jnp.concatenate(
        [h3, jnp.zeros((2, 128), jnp.float32)], axis=0).reshape(N5, 512)

    gg = _tc_d2(h3r, h3q, c3m, W3, W3s, b3.reshape(1, 256),
                g3.reshape(1, 256), be3.reshape(1, 256))
    gq = jnp.concatenate(
        [gg, jnp.zeros((1, 256), jnp.float32)], axis=0).reshape(N6, 512)

    b6 = batch_ids[::64][:N6].astype(jnp.int32).reshape(N6, 1)
    return _tc_d3(gq, b6, Wl, bl.reshape(1, 40))

# --- scband reference (transcript-rebuilt; emitter-appended) ---
"""Pipeline reference for scband-cnn-31980326486777 (READ-ONLY COPY).

The authoritative reference and input builder live on the scoring server;
editing this copy changes nothing except your own understanding.
"""

import jax, jax.numpy as jnp
import numpy as np
jax.config.update("jax_enable_x64", True)

N_NODES = 10000
N_EDGES = 320000
C_IN = 128
NUM_CLASS = 40
B = 8


def _seg_mean(d, ids, n):
    s = jax.ops.segment_sum(d, ids, num_segments=n)
    c = jax.ops.segment_sum(jnp.ones((d.shape[0],), dtype=d.dtype), ids, num_segments=n)
    return s / jnp.maximum(c, 1.0)[:, None]


def _bn_relu(h, g, b):
    mu = jnp.mean(h, axis=0)
    var = jnp.var(h, axis=0)
    return jnp.maximum((h - mu) / jnp.sqrt(var + 1e-5) * g + b, 0.0)


def setup_inputs(seed: int = 0):
    key = jax.random.key(seed)
    ks = jax.random.split(key, 16)
    x = jax.random.normal(ks[0], (N_NODES, C_IN), dtype=jnp.float32)
    edge_index = jax.random.randint(ks[1], (2, N_EDGES), 0, N_NODES, dtype=jnp.int64)
    batch_ids = jnp.sort(jax.random.randint(ks[2], (N_NODES,), 0, B, dtype=jnp.int64))

    def w(k, i, o):
        return jax.random.normal(k, (i, o), dtype=jnp.float32) * 0.02

    params = {
        "W1": w(ks[3], C_IN, 64), "W1s": w(ks[4], C_IN, 64),
        "b1": jnp.zeros((64,), jnp.float32), "g1": jnp.ones((64,), jnp.float32), "be1": jnp.zeros((64,), jnp.float32),
        "W2": w(ks[5], 64, 128), "W2s": w(ks[6], 64, 128),
        "b2": jnp.zeros((128,), jnp.float32), "g2": jnp.ones((128,), jnp.float32), "be2": jnp.zeros((128,), jnp.float32),
        "W3": w(ks[7], 128, 256), "W3s": w(ks[8], 128, 256),
        "b3": jnp.zeros((256,), jnp.float32), "g3": jnp.ones((256,), jnp.float32), "be3": jnp.zeros((256,), jnp.float32),
        "Wl": w(ks[9], 256, NUM_CLASS), "bl": jnp.zeros((NUM_CLASS,), jnp.float32),
    }
    return {"x": x, "edge_index": edge_index, "batch_ids": batch_ids, **params}


def reference(x, edge_index, batch_ids, W1, W1s, b1, g1, be1, W2, W2s, b2, g2, be2, W3, W3s, b3, g3, be3, Wl, bl):
    # Faithful message-passing translation of the Minkowski sparse CNN:
    # each stride-2 sparse conv = gather(src feats) -> matmul -> scatter-add to
    # coarse dst nodes (dst // 2), plus a self/center-kernel term; BN uses batch
    # stats; dropout is identity (inference); avg-pool stride 2 = segment-mean
    # over node-id // 2 clusters; global max pool = segment_max over batch ids.
    src = edge_index[0]
    dst = edge_index[1]

    def ceil2(n):
        return (n + 1) // 2

    n0 = x.shape[0]
    # conv1 (level 0 -> 1, stride 2)
    n1 = ceil2(n0)
    h = jax.ops.segment_sum(x[src] @ W1, dst // 2, num_segments=n1)
    h = h + jax.ops.segment_sum(x @ W1s, jnp.arange(n0) // 2, num_segments=n1)
    h = _bn_relu(h + b1, g1, be1)
    h = jnp.maximum(h, 0.0)  # MF.relu(MF.dropout(.)); dropout = identity at eval
    # avg pool stride 2 (level 1 -> 2)
    n2 = ceil2(n1)
    h = _seg_mean(h, jnp.arange(n1) // 2, n2)
    # conv2 (level 2 -> 3, stride 2)
    n3 = ceil2(n2)
    h = jax.ops.segment_sum(h[src // 4] @ W2, dst // 8, num_segments=n3) + jax.ops.segment_sum(h @ W2s, jnp.arange(n2) // 2, num_segments=n3)
    h = _bn_relu(h + b2, g2, be2)
    h = jnp.maximum(h, 0.0)
    # avg pool (level 3 -> 4)
    n4 = ceil2(n3)
    h = _seg_mean(h, jnp.arange(n3) // 2, n4)
    # conv3 (level 4 -> 5, stride 2)
    n5 = ceil2(n4)
    h = jax.ops.segment_sum(h[src // 16] @ W3, dst // 32, num_segments=n5) + jax.ops.segment_sum(h @ W3s, jnp.arange(n4) // 2, num_segments=n5)
    h = _bn_relu(h + b3, g3, be3)
    h = jnp.maximum(h, 0.0)
    # avg pool (level 5 -> 6)
    n6 = ceil2(n5)
    h = _seg_mean(h, jnp.arange(n5) // 2, n6)
    # global max pooling per batch element
    b6 = batch_ids[::64][:n6]
    pooled = jax.ops.segment_max(h, b6, num_segments=B)
    pooled = jnp.where(jnp.isfinite(pooled), pooled, 0.0)
    return pooled @ Wl + bl

if __name__ == "__main__":
    import jax
    _d = setup_inputs()
    print(jax.jit(kernel)(*tuple(_d.values())))

</pallas_src>

<mosaic_0001>
#map = affine_map<(d0, d1) -> (0, 0)>
#map1 = affine_map<(d0, d1) -> (0)>
#map2 = affine_map<(d0, d1) -> (0, 0, 0)>
module attributes {stable_mosaic.version = 14 : i64} {
  func.func @_sc_conv1_body(%arg0: i32, %arg1: i32, %arg2: memref<10000x128xf32, #tpu.memory_space<hbm>>, %arg3: memref<327680xi32, #tpu.memory_space<hbm>>, %arg4: memref<128x128xf32, #tpu.memory_space<hbm>>, %arg5: memref<2x5120x128xf32, #tpu.memory_space<hbm>>, %arg6: memref<10240xi32, #tpu.memory_space<vmem>>, %arg7: memref<80x128xi32, #tpu.memory_space<vmem>>, %arg8: memref<128x128xf32, #tpu.memory_space<vmem>>, %arg9: memref<128x128xf32, #tpu.memory_space<vmem>>, %arg10: memref<128x128xf32, #tpu.memory_space<vmem>>, %arg11: memref<5120x128xf32, #tpu.memory_space<vmem_shared>>, %arg12: memref<!tpu.dma_semaphore, #tpu.memory_space<semaphore_mem>>, %arg13: memref<!tpu.dma_semaphore, #tpu.memory_space<semaphore_mem>>) attributes {dimension_semantics = [#tpu.dimension_semantics<core_parallel>, #tpu.dimension_semantics<subcore_parallel>], iteration_bounds = array<i64: 2, 16>, scalar_prefetch = 0 : i64, scratch_operands = 8 : i64, tpu.core_type = #tpu.core_type<sc_vector_subcore>, window_params = [{transform_indices = #map}, {transform_indices = #map1}, {transform_indices = #map}, {transform_indices = #map2}]} {
    %mul3A = arith.constant 2 : i32
    %mul3A_0 = arith.muli %arg1, %mul3A : i32
    %add3A = arith.addi %mul3A_0, %arg0 : i32
    %mul3A_1 = arith.constant 10240 : i32
    %mul3A_2 = arith.muli %add3A, %mul3A_1 : i32
    "tpu.region"() ({
      %run_scoped3A = tpu.sem_alloc : memref<!tpu.dma_semaphore, #tpu.memory_space<semaphore_mem>>
      %dma_start3A_41 = tpu.memref_slice %arg3[%mul3A_2] : memref<327680xi32, #tpu.memory_space<hbm>> -> memref<10240xi32, #tpu.memory_space<hbm>>
      %dma_start3A_42 = tpu.memref_slice %arg3[%mul3A_2] : memref<327680xi32, #tpu.memory_space<hbm>> -> memref<10240xi32, #tpu.memory_space<hbm>>
      tpu.enqueue_dma source(%dma_start3A_42 : memref<10240xi32, #tpu.memory_space<hbm>>) target(%arg6 : memref<10240xi32, #tpu.memory_space<vmem>>) target_semaphore(%run_scoped3A : memref<!tpu.dma_semaphore, #tpu.memory_space<semaphore_mem>>)
      %dma_wait3A = tpu.memref_slice %arg3[%mul3A_2] : memref<327680xi32, #tpu.memory_space<hbm>> -> memref<10240xi32, #tpu.memory_space<hbm>>
      %dma_wait3A_43 = tpu.memref_slice %arg3[%mul3A_2] : memref<327680xi32, #tpu.memory_space<hbm>> -> memref<10240xi32, #tpu.memory_space<hbm>>
      tpu.wait_dma2 semaphore(%run_scoped3A : memref<!tpu.dma_semaphore, #tpu.memory_space<semaphore_mem>>) src(%dma_wait3A_43 : memref<10240xi32, #tpu.memory_space<hbm>>) dst(%arg6 : memref<10240xi32, #tpu.memory_space<vmem>>)
      tpu.yield
    }) : () -> ()
    "tpu.region"() ({
      %run_scoped3A = tpu.sem_alloc : memref<!tpu.dma_semaphore, #tpu.memory_space<semaphore_mem>>
      tpu.enqueue_dma source(%arg4 : memref<128x128xf32, #tpu.memory_space<hbm>>) target(%arg10 : memref<128x128xf32, #tpu.memory_space<vmem>>) target_semaphore(%run_scoped3A : memref<!tpu.dma_semaphore, #tpu.memory_space<semaphore_mem>>)
      tpu.wait_dma2 semaphore(%run_scoped3A : memref<!tpu.dma_semaphore, #tpu.memory_space<semaphore_mem>>) src(%arg4 : memref<128x128xf32, #tpu.memory_space<hbm>>) dst(%arg10 : memref<128x128xf32, #tpu.memory_space<vmem>>)
      tpu.yield
    }) : () -> ()
    %mul3A_3 = arith.constant 320 : i32
    %mul3A_4 = arith.muli %arg1, %mul3A_3 : i32
    "tpu.region"() ({
      %run_scoped3A = tpu.sem_alloc : memref<!tpu.dma_semaphore, #tpu.memory_space<semaphore_mem>>
      %dma_start3A_41 = arith.constant 0 : i32
      %dma_start3A_42 = tpu.memref_slice %arg11[%mul3A_4, %dma_start3A_41] : memref<5120x128xf32, #tpu.memory_space<vmem_shared>> -> memref<128x128xf32, #tpu.memory_space<vmem_shared>>
      %dma_start3A_43 = arith.constant 0 : i32
      %dma_start3A_44 = tpu.memref_slice %arg11[%mul3A_4, %dma_start3A_43] : memref<5120x128xf32, #tpu.memory_space<vmem_shared>> -> memref<128x128xf32, #tpu.memory_space<vmem_shared>>
      tpu.enqueue_dma source(%arg10 : memref<128x128xf32, #tpu.memory_space<vmem>>) target(%dma_start3A_44 : memref<128x128xf32, #tpu.memory_space<vmem_shared>>) target_semaphore(%run_scoped3A : memref<!tpu.dma_semaphore, #tpu.memory_space<semaphore_mem>>)
      %dma_wait3A = arith.constant 0 : i32
      %dma_wait3A_45 = tpu.memref_slice %arg11[%mul3A_4, %dma_wait3A] : memref<5120x128xf32, #tpu.memory_space<vmem_shared>> -> memref<128x128xf32, #tpu.memory_space<vmem_shared>>
      %dma_wait3A_46 = arith.constant 0 : i32
      %dma_wait3A_47 = tpu.memref_slice %arg11[%mul3A_4, %dma_wait3A_46] : memref<5120x128xf32, #tpu.memory_space<vmem_shared>> -> memref<128x128xf32, #tpu.memory_space<vmem_shared>>
      tpu.wait_dma2 semaphore(%run_scoped3A : memref<!tpu.dma_semaphore, #tpu.memory_space<semaphore_mem>>) src(%arg10 : memref<128x128xf32, #tpu.memory_space<vmem>>) dst(%dma_wait3A_47 : memref<128x128xf32, #tpu.memory_space<vmem_shared>>)
      tpu.yield
    }) : () -> ()
    %add3A_5 = arith.constant 128 : i32
    %add3A_6 = arith.addi %mul3A_4, %add3A_5 : i32
    "tpu.region"() ({
      %run_scoped3A = tpu.sem_alloc : memref<!tpu.dma_semaphore, #tpu.memory_space<semaphore_mem>>
      %dma_start3A_41 = arith.constant 0 : i32
      %dma_start3A_42 = tpu.memref_slice %arg11[%add3A_6, %dma_start3A_41] : memref<5120x128xf32, #tpu.memory_space<vmem_shared>> -> memref<128x128xf32, #tpu.memory_space<vmem_shared>>
      %dma_start3A_43 = arith.constant 0 : i32
      %dma_start3A_44 = tpu.memref_slice %arg11[%add3A_6, %dma_start3A_43] : memref<5120x128xf32, #tpu.memory_space<vmem_shared>> -> memref<128x128xf32, #tpu.memory_space<vmem_shared>>
      tpu.enqueue_dma source(%arg10 : memref<128x128xf32, #tpu.memory_space<vmem>>) target(%dma_start3A_44 : memref<128x128xf32, #tpu.memory_space<vmem_shared>>) target_semaphore(%run_scoped3A : memref<!tpu.dma_semaphore, #tpu.memory_space<semaphore_mem>>)
      %dma_wait3A = arith.constant 0 : i32
      %dma_wait3A_45 = tpu.memref_slice %arg11[%add3A_6, %dma_wait3A] : memref<5120x128xf32, #tpu.memory_space<vmem_shared>> -> memref<128x128xf32, #tpu.memory_space<vmem_shared>>
      %dma_wait3A_46 = arith.constant 0 : i32
      %dma_wait3A_47 = tpu.memref_slice %arg11[%add3A_6, %dma_wait3A_46] : memref<5120x128xf32, #tpu.memory_space<vmem_shared>> -> memref<128x128xf32, #tpu.memory_space<vmem_shared>>
      tpu.wait_dma2 semaphore(%run_scoped3A : memref<!tpu.dma_semaphore, #tpu.memory_space<semaphore_mem>>) src(%arg10 : memref<128x128xf32, #tpu.memory_space<vmem>>) dst(%dma_wait3A_47 : memref<128x128xf32, #tpu.memory_space<vmem_shared>>)
      tpu.yield
    }) : () -> ()
    %add3A_7 = arith.constant 256 : i32
    %add3A_8 = arith.addi %mul3A_4, %add3A_7 : i32
    "tpu.region"() ({
      %run_scoped3A = tpu.sem_alloc : memref<!tpu.dma_semaphore, #tpu.memory_space<semaphore_mem>>
      %dma_start3A_41 = arith.constant 0 : i32
      %dma_start3A_42 = arith.constant 0 : i32
      %dma_start3A_43 = tpu.memref_slice %arg10[%dma_start3A_41, %dma_start3A_42] : memref<128x128xf32, #tpu.memory_space<vmem>> -> memref<64x128xf32, #tpu.memory_space<vmem>>
      %dma_start3A_44 = arith.constant 0 : i32
      %dma_start3A_45 = tpu.memref_slice %arg11[%add3A_8, %dma_start3A_44] : memref<5120x128xf32, #tpu.memory_space<vmem_shared>> -> memref<64x128xf32, #tpu.memory_space<vmem_shared>>
      %dma_start3A_46 = arith.constant 0 : i32
      %dma_start3A_47 = tpu.memref_slice %arg11[%add3A_8, %dma_start3A_46] : memref<5120x128xf32, #tpu.memory_space<vmem_shared>> -> memref<64x128xf32, #tpu.memory_space<vmem_shared>>
      %dma_start3A_48 = arith.constant 0 : i32
      %dma_start3A_49 = arith.constant 0 : i32
      %dma_start3A_50 = tpu.memref_slice %arg10[%dma_start3A_48, %dma_start3A_49] : memref<128x128xf32, #tpu.memory_space<vmem>> -> memref<64x128xf32, #tpu.memory_space<vmem>>
      tpu.enqueue_dma source(%dma_start3A_50 : memref<64x128xf32, #tpu.memory_space<vmem>>) target(%dma_start3A_47 : memref<64x128xf32, #tpu.memory_space<vmem_shared>>) target_semaphore(%run_scoped3A : memref<!tpu.dma_semaphore, #tpu.memory_space<semaphore_mem>>)
      %dma_wait3A = arith.constant 0 : i32
      %dma_wait3A_51 = arith.constant 0 : i32
      %dma_wait3A_52 = tpu.memref_slice %arg10[%dma_wait3A, %dma_wait3A_51] : memref<128x128xf32, #tpu.memory_space<vmem>> -> memref<64x128xf32, #tpu.memory_space<vmem>>
      %dma_wait3A_53 = arith.constant 0 : i32
      %dma_wait3A_54 = tpu.memref_slice %arg11[%add3A_8, %dma_wait3A_53] : memref<5120x128xf32, #tpu.memory_space<vmem_shared>> -> memref<64x128xf32, #tpu.memory_space<vmem_shared>>
      %dma_wait3A_55 = arith.constant 0 : i32
      %dma_wait3A_56 = tpu.memref_slice %arg11[%add3A_8, %dma_wait3A_55] : memref<5120x128xf32, #tpu.memory_space<vmem_shared>> -> memref<64x128xf32, #tpu.memory_space<vmem_shared>>
      %dma_wait3A_57 = arith.constant 0 : i32
      %dma_wait3A_58 = arith.constant 0 : i32
      %dma_wait3A_59 = tpu.memref_slice %arg10[%dma_wait3A_57, %dma_wait3A_58] : memref<128x128xf32, #tpu.memory_space<vmem>> -> memref<64x128xf32, #tpu.memory_space<vmem>>
      tpu.wait_dma2 semaphore(%run_scoped3A : memref<!tpu.dma_semaphore, #tpu.memory_space<semaphore_mem>>) src(%dma_wait3A_59 : memref<64x128xf32, #tpu.memory_space<vmem>>) dst(%dma_wait3A_56 : memref<64x128xf32, #tpu.memory_space<vmem_shared>>)
      tpu.yield
    }) : () -> ()
    %while3A = arith.constant 0 : i32
    %while3A_9 = arith.constant 80 : i32
    %while3A_10 = arith.constant 0 : i32
    %while3A_11 = arith.subi %while3A_9, %while3A : i32
    %while3A_12 = arith.addi %while3A, %while3A_11 : i32
    %while3A_13 = arith.constant 1 : i32
    %while3A_14 = arith.divsi %while3A_11, %while3A_13 : i32
    %while3A_15 = arith.muli %while3A_14, %while3A_13 : i32
    %while3A_16 = arith.addi %while3A, %while3A_15 : i32
    %while3A_17 = arith.constant 1 : i32
    %while3A_18 = scf.for %while3A_41 = %while3A to %while3A_16 step %while3A_17 iter_args(%while3A_42 = %while3A_10) -> (i32)  : i32 {
      %mul3A_43 = arith.constant 128 : i32
      %mul3A_44 = arith.muli %while3A_41, %mul3A_43 : i32
      %multiple_of3A_45 = tpu.assume_multiple %mul3A_44, 128 : i32
      %add3A_46 = arith.constant 0 : i32
      %add3A_47 = arith.addi %multiple_of3A_45, %add3A_46 : i32
      %get3A = arith.index_cast %add3A_47 : i32 to index
      %get3A_48 = tpu.vector_load %arg6[%get3A] {strides = array<i32>} : memref<10240xi32, #tpu.memory_space<vmem>>, vector<16xi32>,
      %get3A_49 = vector.shape_cast %get3A_48 : vector<16xi32> to vector<16xi32>
      %shift_right_logical3A = arith.constant 14 : i32
      %shift_right_logical3A_50 = vector.broadcast %shift_right_logical3A : i32 to vector<16xi32>
      %shift_right_logical3A_51 = arith.shrui %get3A_49, %shift_right_logical3A_50 : vector<16xi32>
      %shift_right_logical3A_52 = arith.constant 1 : i32
      %shift_right_logical3A_53 = vector.broadcast %shift_right_logical3A_52 : i32 to vector<16xi32>
      %shift_right_logical3A_54 = arith.shrui %shift_right_logical3A_51, %shift_right_logical3A_53 : vector<16xi32>
      %swap3A = arith.index_cast %while3A_41 : i32 to index
      %swap3A_55 = arith.constant 0 : index
      %swap3A_56 = tpu.vector_load %arg7[%swap3A, %swap3A_55] {strides = array<i32>} : memref<80x128xi32, #tpu.memory_space<vmem>>, vector<1x16xi32>,
      %swap3A_57 = vector.shape_cast %swap3A_56 : vector<1x16xi32> to vector<16xi32>
      %swap3A_58 = vector.shape_cast %shift_right_logical3A_54 : vector<16xi32> to vector<1x16xi32>
      tpu.vector_store %arg7[%swap3A, %swap3A_55], %swap3A_58 {strides = array<i32>} : memref<80x128xi32, #tpu.memory_space<vmem>>, vector<1x16xi32>,
      %and3A = arith.constant 16383 : i32
      %and3A_59 = vector.broadcast %and3A : i32 to vector<16xi32>
      %and3A_60 = arith.andi %get3A_49, %and3A_59 : vector<16xi32>
      %add3A_61 = arith.constant 0 : i32
      %add3A_62 = arith.addi %multiple_of3A_45, %add3A_61 : i32
      %swap3A_63 = arith.index_cast %add3A_62 : i32 to index
      %swap3A_64 = tpu.vector_load %arg6[%swap3A_63] {strides = array<i32>} : memref<10240xi32, #tpu.memory_space<vmem>>, vector<16xi32>,
      %swap3A_65 = vector.shape_cast %swap3A_64 : vector<16xi32> to vector<16xi32>
      %swap3A_66 = vector.shape_cast %and3A_60 : vector<16xi32> to vector<16xi32>
      tpu.vector_store %arg6[%swap3A_63], %swap3A_66 {strides = array<i32>} : memref<10240xi32, #tpu.memory_space<vmem>>, vector<16xi32>,
      %add3A_67 = arith.constant 16 : i32
      %add3A_68 = arith.addi %multiple_of3A_45, %add3A_67 : i32
      %get3A_69 = arith.index_cast %add3A_68 : i32 to index
      %get3A_70 = tpu.vector_load %arg6[%get3A_69] {strides = array<i32>} : memref<10240xi32, #tpu.memory_space<vmem>>, vector<16xi32>,
      %get3A_71 = vector.shape_cast %get3A_70 : vector<16xi32> to vector<16xi32>
      %shift_right_logical3A_72 = arith.constant 14 : i32
      %shift_right_logical3A_73 = vector.broadcast %shift_right_logical3A_72 : i32 to vector<16xi32>
      %shift_right_logical3A_74 = arith.shrui %get3A_71, %shift_right_logical3A_73 : vector<16xi32>
      %shift_right_logical3A_75 = arith.constant 1 : i32
      %shift_right_logical3A_76 = vector.broadcast %shift_right_logical3A_75 : i32 to vector<16xi32>
      %shift_right_logical3A_77 = arith.shrui %shift_right_logical3A_74, %shift_right_logical3A_76 : vector<16xi32>
      %swap3A_78 = arith.index_cast %while3A_41 : i32 to index
      %swap3A_79 = arith.constant 16 : index
      %swap3A_80 = tpu.vector_load %arg7[%swap3A_78, %swap3A_79] {strides = array<i32>} : memref<80x128xi32, #tpu.memory_space<vmem>>, vector<1x16xi32>,
      %swap3A_81 = vector.shape_cast %swap3A_80 : vector<1x16xi32> to vector<16xi32>
      %swap3A_82 = vector.shape_cast %shift_right_logical3A_77 : vector<16xi32> to vector<1x16xi32>
      tpu.vector_store %arg7[%swap3A_78, %swap3A_79], %swap3A_82 {strides = array<i32>} : memref<80x128xi32, #tpu.memory_space<vmem>>, vector<1x16xi32>,
      %and3A_83 = arith.constant 16383 : i32
      %and3A_84 = vector.broadcast %and3A_83 : i32 to vector<16xi32>
      %and3A_85 = arith.andi %get3A_71, %and3A_84 : vector<16xi32>
      %add3A_86 = arith.constant 16 : i32
      %add3A_87 = arith.addi %multiple_of3A_45, %add3A_86 : i32
      %swap3A_88 = arith.index_cast %add3A_87 : i32 to index
      %swap3A_89 = tpu.vector_load %arg6[%swap3A_88] {strides = array<i32>} : memref<10240xi32, #tpu.memory_space<vmem>>, vector<16xi32>,
      %swap3A_90 = vector.shape_cast %swap3A_89 : vector<16xi32> to vector<16xi32>
      %swap3A_91 = vector.shape_cast %and3A_85 : vector<16xi32> to vector<16xi32>
      tpu.vector_store %arg6[%swap3A_88], %swap3A_91 {strides = array<i32>} : memref<10240xi32, #tpu.memory_space<vmem>>, vector<16xi32>,
      %add3A_92 = arith.constant 32 : i32
      %add3A_93 = arith.addi %multiple_of3A_45, %add3A_92 : i32
      %get3A_94 = arith.index_cast %add3A_93 : i32 to index
      %get3A_95 = tpu.vector_load %arg6[%get3A_94] {strides = array<i32>} : memref<10240xi32, #tpu.memory_space<vmem>>, vector<16xi32>,
      %get3A_96 = vector.shape_cast %get3A_95 : vector<16xi32> to vector<16xi32>
      %shift_right_logical3A_97 = arith.constant 14 : i32
      %shift_right_logical3A_98 = vector.broadcast %shift_right_logical3A_97 : i32 to vector<16xi32>
      %shift_right_logical3A_99 = arith.shrui %get3A_96, %shift_right_logical3A_98 : vector<16xi32>
      %shift_right_logical3A_100 = arith.constant 1 : i32
      %shift_right_logical3A_101 = vector.broadcast %shift_right_logical3A_100 : i32 to vector<16xi32>
      %shift_right_logical3A_102 = arith.shrui %shift_right_logical3A_99, %shift_right_logical3A_101 : vector<16xi32>
      %swap3A_103 = arith.index_cast %while3A_41 : i32 to index
      %swap3A_104 = arith.constant 32 : index
      %swap3A_105 = tpu.vector_load %arg7[%swap3A_103, %swap3A_104] {strides = array<i32>} : memref<80x128xi32, #tpu.memory_space<vmem>>, vector<1x16xi32>,
      %swap3A_106 = vector.shape_cast %swap3A_105 : vector<1x16xi32> to vector<16xi32>
      %swap3A_107 = vector.shape_cast %shift_right_logical3A_102 : vector<16xi32> to vector<1x16xi32>
      tpu.vector_store %arg7[%swap3A_103, %swap3A_104], %swap3A_107 {strides = array<i32>} : memref<80x128xi32, #tpu.memory_space<vmem>>, vector<1x16xi32>,
      %and3A_108 = arith.constant 16383 : i32
      %and3A_109 = vector.broadcast %and3A_108 : i32 to vector<16xi32>
      %and3A_110 = arith.andi %get3A_96, %and3A_109 : vector<16xi32>
      %add3A_111 = arith.constant 32 : i32
      %add3A_112 = arith.addi %multiple_of3A_45, %add3A_111 : i32
      %swap3A_113 = arith.index_cast %add3A_112 : i32 to index
      %swap3A_114 = tpu.vector_load %arg6[%swap3A_113] {strides = array<i32>} : memref<10240xi32, #tpu.memory_space<vmem>>, vector<16xi32>,
      %swap3A_115 = vector.shape_cast %swap3A_114 : vector<16xi32> to vector<16xi32>
      %swap3A_116 = vector.shape_cast %and3A_110 : vector<16xi32> to vector<16xi32>
      tpu.vector_store %arg6[%swap3A_113], %swap3A_116 {strides = array<i32>} : memref<10240xi32, #tpu.memory_space<vmem>>, vector<16xi32>,
      %add3A_117 = arith.constant 48 : i32
      %add3A_118 = arith.addi %multiple_of3A_45, %add3A_117 : i32
      %get3A_119 = arith.index_cast %add3A_118 : i32 to index
      %get3A_120 = tpu.vector_load %arg6[%get3A_119] {strides = array<i32>} : memref<10240xi32, #tpu.memory_space<vmem>>, vector<16xi32>,
      %get3A_121 = vector.shape_cast %get3A_120 : vector<16xi32> to vector<16xi32>
      %shift_right_logical3A_122 = arith.constant 14 : i32
      %shift_right_logical3A_123 = vector.broadcast %shift_right_logical3A_122 : i32 to vector<16xi32>
      %shift_right_logical3A_124 = arith.shrui %get3A_121, %shift_right_logical3A_123 : vector<16xi32>
      %shift_right_logical3A_125 = arith.constant 1 : i32
      %shift_right_logical3A_126 = vector.broadcast %shift_right_logical3A_125 : i32 to vector<16xi32>
      %shift_right_logical3A_127 = arith.shrui %shift_right_logical3A_124, %shift_right_logical3A_126 : vector<16xi32>
      %swap3A_128 = arith.index_cast %while3A_41 : i32 to index
      %swap3A_129 = arith.constant 48 : index
      %swap3A_130 = tpu.vector_load %arg7[%swap3A_128, %swap3A_129] {strides = array<i32>} : memref<80x128xi32, #tpu.memory_space<vmem>>, vector<1x16xi32>,
      %swap3A_131 = vector.shape_cast %swap3A_130 : vector<1x16xi32> to vector<16xi32>
      %swap3A_132 = vector.shape_cast %shift_right_logical3A_127 : vector<16xi32> to vector<1x16xi32>
      tpu.vector_store %arg7[%swap3A_128, %swap3A_129], %swap3A_132 {strides = array<i32>} : memref<80x128xi32, #tpu.memory_space<vmem>>, vector<1x16xi32>,
      %and3A_133 = arith.constant 16383 : i32
      %and3A_134 = vector.broadcast %and3A_133 : i32 to vector<16xi32>
      %and3A_135 = arith.andi %get3A_121, %and3A_134 : vector<16xi32>
      %add3A_136 = arith.constant 48 : i32
      %add3A_137 = arith.addi %multiple_of3A_45, %add3A_136 : i32
      %swap3A_138 = arith.index_cast %add3A_137 : i32 to index
      %swap3A_139 = tpu.vector_load %arg6[%swap3A_138] {strides = array<i32>} : memref<10240xi32, #tpu.memory_space<vmem>>, vector<16xi32>,
      %swap3A_140 = vector.shape_cast %swap3A_139 : vector<16xi32> to vector<16xi32>
      %swap3A_141 = vector.shape_cast %and3A_135 : vector<16xi32> to vector<16xi32>
      tpu.vector_store %arg6[%swap3A_138], %swap3A_141 {strides = array<i32>} : memref<10240xi32, #tpu.memory_space<vmem>>, vector<16xi32>,
      %add3A_142 = arith.constant 64 : i32
      %add3A_143 = arith.addi %multiple_of3A_45, %add3A_142 : i32
      %get3A_144 = arith.index_cast %add3A_143 : i32 to index
      %get3A_145 = tpu.vector_load %arg6[%get3A_144] {strides = array<i32>} : memref<10240xi32, #tpu.memory_space<vmem>>, vector<16xi32>,
      %get3A_146 = vector.shape_cast %get3A_145 : vector<16xi32> to vector<16xi32>
      %shift_right_logical3A_147 = arith.constant 14 : i32
      %shift_right_logical3A_148 = vector.broadcast %shift_right_logical3A_147 : i32 to vector<16xi32>
      %shift_right_logical3A_149 = arith.shrui %get3A_146, %shift_right_logical3A_148 : vector<16xi32>
      %shift_right_logical3A_150 = arith.constant 1 : i32
      %shift_right_logical3A_151 = vector.broadcast %shift_right_logical3A_150 : i32 to vector<16xi32>
      %shift_right_logical3A_152 = arith.shrui %shift_right_logical3A_149, %shift_right_logical3A_151 : vector<16xi32>
      %swap3A_153 = arith.index_cast %while3A_41 : i32 to index
      %swap3A_154 = arith.constant 64 : index
      %swap3A_155 = tpu.vector_load %arg7[%swap3A_153, %swap3A_154] {strides = array<i32>} : memref<80x128xi32, #tpu.memory_space<vmem>>, vector<1x16xi32>,
      %swap3A_156 = vector.shape_cast %swap3A_155 : vector<1x16xi32> to vector<16xi32>
      %swap3A_157 = vector.shape_cast %shift_right_logical3A_152 : vector<16xi32> to vector<1x16xi32>
      tpu.vector_store %arg7[%swap3A_153, %swap3A_154], %swap3A_157 {strides = array<i32>} : memref<80x128xi32, #tpu.memory_space<vmem>>, vector<1x16xi32>,
      %and3A_158 = arith.constant 16383 : i32
      %and3A_159 = vector.broadcast %and3A_158 : i32 to vector<16xi32>
      %and3A_160 = arith.andi %get3A_146, %and3A_159 : vector<16xi32>
      %add3A_161 = arith.constant 64 : i32
      %add3A_162 = arith.addi %multiple_of3A_45, %add3A_161 : i32
      %swap3A_163 = arith.index_cast %add3A_162 : i32 to index
      %swap3A_164 = tpu.vector_load %arg6[%swap3A_163] {strides = array<i32>} : memref<10240xi32, #tpu.memory_space<vmem>>, vector<16xi32>,
      %swap3A_165 = vector.shape_cast %swap3A_164 : vector<16xi32> to vector<16xi32>
      %swap3A_166 = vector.shape_cast %and3A_160 : vector<16xi32> to vector<16xi32>
      tpu.vector_store %arg6[%swap3A_163], %swap3A_166 {strides = array<i32>} : memref<10240xi32, #tpu.memory_space<vmem>>, vector<16xi32>,
      %add3A_167 = arith.constant 80 : i32
      %add3A_168 = arith.addi %multiple_of3A_45, %add3A_167 : i32
      %get3A_169 = arith.index_cast %add3A_168 : i32 to index
      %get3A_170 = tpu.vector_load %arg6[%get3A_169] {strides = array<i32>} : memref<10240xi32, #tpu.memory_space<vmem>>, vector<16xi32>,
      %get3A_171 = vector.shape_cast %get3A_170 : vector<16xi32> to vector<16xi32>
      %shift_right_logical3A_172 = arith.constant 14 : i32
      %shift_right_logical3A_173 = vector.broadcast %shift_right_logical3A_172 : i32 to vector<16xi32>
      %shift_right_logical3A_174 = arith.shrui %get3A_171, %shift_right_logical3A_173 : vector<16xi32>
      %shift_right_logical3A_175 = arith.constant 1 : i32
      %shift_right_logical3A_176 = vector.broadcast %shift_right_logical3A_175 : i32 to vector<16xi32>
      %shift_right_logical3A_177 = arith.shrui %shift_right_logical3A_174, %shift_right_logical3A_176 : vector<16xi32>
      %swap3A_178 = arith.index_cast %while3A_41 : i32 to index
      %swap3A_179 = arith.constant 80 : index
      %swap3A_180 = tpu.vector_load %arg7[%swap3A_178, %swap3A_179] {strides = array<i32>} : memref<80x128xi32, #tpu.memory_space<vmem>>, vector<1x16xi32>,
      %swap3A_181 = vector.shape_cast %swap3A_180 : vector<1x16xi32> to vector<16xi32>
      %swap3A_182 = vector.shape_cast %shift_right_logical3A_177 : vector<16xi32> to vector<1x16xi32>
      tpu.vector_store %arg7[%swap3A_178, %swap3A_179], %swap3A_182 {strides = array<i32>} : memref<80x128xi32, #tpu.memory_space<vmem>>, vector<1x16xi32>,
      %and3A_183 = arith.constant 16383 : i32
      %and3A_184 = vector.broadcast %and3A_183 : i32 to vector<16xi32>
      %and3A_185 = arith.andi %get3A_171, %and3A_184 : vector<16xi32>
      %add3A_186 = arith.constant 80 : i32
      %add3A_187 = arith.addi %multiple_of3A_45, %add3A_186 : i32
      %swap3A_188 = arith.index_cast %add3A_187 : i32 to index
      %swap3A_189 = tpu.vector_load %arg6[%swap3A_188] {strides = array<i32>} : memref<10240xi32, #tpu.memory_space<vmem>>, vector<16xi32>,
      %swap3A_190 = vector.shape_cast %swap3A_189 : vector<16xi32> to vector<16xi32>
      %swap3A_191 = vector.shape_cast %and3A_185 : vector<16xi32> to vector<16xi32>
      tpu.vector_store %arg6[%swap3A_188], %swap3A_191 {strides = array<i32>} : memref<10240xi32, #tpu.memory_space<vmem>>, vector<16xi32>,
      %add3A_192 = arith.constant 96 : i32
      %add3A_193 = arith.addi %multiple_of3A_45, %add3A_192 : i32
      %get3A_194 = arith.index_cast %add3A_193 : i32 to index
      %get3A_195 = tpu.vector_load %arg6[%get3A_194] {strides = array<i32>} : memref<10240xi32, #tpu.memory_space<vmem>>, vector<16xi32>,
      %get3A_196 = vector.shape_cast %get3A_195 : vector<16xi32> to vector<16xi32>
      %shift_right_logical3A_197 = arith.constant 14 : i32
      %shift_right_logical3A_198 = vector.broadcast %shift_right_logical3A_197 : i32 to vector<16xi32>
      %shift_right_logical3A_199 = arith.shrui %get3A_196, %shift_right_logical3A_198 : vector<16xi32>
      %shift_right_logical3A_200 = arith.constant 1 : i32
      %shift_right_logical3A_201 = vector.broadcast %shift_right_logical3A_200 : i32 to vector<16xi32>
      %shift_right_logical3A_202 = arith.shrui %shift_right_logical3A_199, %shift_right_logical3A_201 : vector<16xi32>
      %swap3A_203 = arith.index_cast %while3A_41 : i32 to index
      %swap3A_204 = arith.constant 96 : index
      %swap3A_205 = tpu.vector_load %arg7[%swap3A_203, %swap3A_204] {strides = array<i32>} : memref<80x128xi32, #tpu.memory_space<vmem>>, vector<1x16xi32>,
      %swap3A_206 = vector.shape_cast %swap3A_205 : vector<1x16xi32> to vector<16xi32>
      %swap3A_207 = vector.shape_cast %shift_right_logical3A_202 : vector<16xi32> to vector<1x16xi32>
      tpu.vector_store %arg7[%swap3A_203, %swap3A_204], %swap3A_207 {strides = array<i32>} : memref<80x128xi32, #tpu.memory_space<vmem>>, vector<1x16xi32>,
      %and3A_208 = arith.constant 16383 : i32
      %and3A_209 = vector.broadcast %and3A_208 : i32 to vector<16xi32>
      %and3A_210 = arith.andi %get3A_196, %and3A_209 : vector<16xi32>
      %add3A_211 = arith.constant 96 : i32
      %add3A_212 = arith.addi %multiple_of3A_45, %add3A_211 : i32
      %swap3A_213 = arith.index_cast %add3A_212 : i32 to index
      %swap3A_214 = tpu.vector_load %arg6[%swap3A_213] {strides = array<i32>} : memref<10240xi32, #tpu.memory_space<vmem>>, vector<16xi32>,
      %swap3A_215 = vector.shape_cast %swap3A_214 : vector<16xi32> to vector<16xi32>
      %swap3A_216 = vector.shape_cast %and3A_210 : vector<16xi32> to vector<16xi32>
      tpu.vector_store %arg6[%swap3A_213], %swap3A_216 {strides = array<i32>} : memref<10240xi32, #tpu.memory_space<vmem>>, vector<16xi32>,
      %add3A_217 = arith.constant 112 : i32
      %add3A_218 = arith.addi %multiple_of3A_45, %add3A_217 : i32
      %get3A_219 = arith.index_cast %add3A_218 : i32 to index
      %get3A_220 = tpu.vector_load %arg6[%get3A_219] {strides = array<i32>} : memref<10240xi32, #tpu.memory_space<vmem>>, vector<16xi32>,
      %get3A_221 = vector.shape_cast %get3A_220 : vector<16xi32> to vector<16xi32>
      %shift_right_logical3A_222 = arith.constant 14 : i32
      %shift_right_logical3A_223 = vector.broadcast %shift_right_logical3A_222 : i32 to vector<16xi32>
      %shift_right_logical3A_224 = arith.shrui %get3A_221, %shift_right_logical3A_223 : vector<16xi32>
      %shift_right_logical3A_225 = arith.constant 1 : i32
      %shift_right_logical3A_226 = vector.broadcast %shift_right_logical3A_225 : i32 to vector<16xi32>
      %shift_right_logical3A_227 = arith.shrui %shift_right_logical3A_224, %shift_right_logical3A_226 : vector<16xi32>
      %swap3A_228 = arith.index_cast %while3A_41 : i32 to index
      %swap3A_229 = arith.constant 112 : index
      %swap3A_230 = tpu.vector_load %arg7[%swap3A_228, %swap3A_229] {strides = array<i32>} : memref<80x128xi32, #tpu.memory_space<vmem>>, vector<1x16xi32>,
      %swap3A_231 = vector.shape_cast %swap3A_230 : vector<1x16xi32> to vector<16xi32>
      %swap3A_232 = vector.shape_cast %shift_right_logical3A_227 : vector<16xi32> to vector<1x16xi32>
      tpu.vector_store %arg7[%swap3A_228, %swap3A_229], %swap3A_232 {strides = array<i32>} : memref<80x128xi32, #tpu.memory_space<vmem>>, vector<1x16xi32>,
      %and3A_233 = arith.constant 16383 : i32
      %and3A_234 = vector.broadcast %and3A_233 : i32 to vector<16xi32>
      %and3A_235 = arith.andi %get3A_221, %and3A_234 : vector<16xi32>
      %add3A_236 = arith.constant 112 : i32
      %add3A_237 = arith.addi %multiple_of3A_45, %add3A_236 : i32
      %swap3A_238 = arith.index_cast %add3A_237 : i32 to index
      %swap3A_239 = tpu.vector_load %arg6[%swap3A_238] {strides = array<i32>} : memref<10240xi32, #tpu.memory_space<vmem>>, vector<16xi32>,
      %swap3A_240 = vector.shape_cast %swap3A_239 : vector<16xi32> to vector<16xi32>
      %swap3A_241 = vector.shape_cast %and3A_235 : vector<16xi32> to vector<16xi32>
      tpu.vector_store %arg6[%swap3A_238], %swap3A_241 {strides = array<i32>} : memref<10240xi32, #tpu.memory_space<vmem>>, vector<16xi32>,
      %while3A_242 = arith.constant 0 : i32
      scf.yield %while3A_242 : i32
    }
    %while3A_19 = arith.constant 1 : i32
    %while3A_20 = scf.for %while3A_41 = %while3A_16 to %while3A_12 step %while3A_19 iter_args(%while3A_42 = %while3A_18) -> (i32)  : i32 {
      %mul3A_43 = arith.constant 128 : i32
      %mul3A_44 = arith.muli %while3A_41, %mul3A_43 : i32
      %multiple_of3A_45 = tpu.assume_multiple %mul3A_44, 128 : i32
      %add3A_46 = arith.constant 0 : i32
      %add3A_47 = arith.addi %multiple_of3A_45, %add3A_46 : i32
      %get3A = arith.index_cast %add3A_47 : i32 to index
      %get3A_48 = tpu.vector_load %arg6[%get3A] {strides = array<i32>} : memref<10240xi32, #tpu.memory_space<vmem>>, vector<16xi32>,
      %get3A_49 = vector.shape_cast %get3A_48 : vector<16xi32> to vector<16xi32>
      %shift_right_logical3A = arith.constant 14 : i32
      %shift_right_logical3A_50 = vector.broadcast %shift_right_logical3A : i32 to vector<16xi32>
      %shift_right_logical3A_51 = arith.shrui %get3A_49, %shift_right_logical3A_50 : vector<16xi32>
      %shift_right_logical3A_52 = arith.constant 1 : i32
      %shift_right_logical3A_53 = vector.broadcast %shift_right_logical3A_52 : i32 to vector<16xi32>
      %shift_right_logical3A_54 = arith.shrui %shift_right_logical3A_51, %shift_right_logical3A_53 : vector<16xi32>
      %swap3A = arith.index_cast %while3A_41 : i32 to index
      %swap3A_55 = arith.constant 0 : index
      %swap3A_56 = tpu.vector_load %arg7[%swap3A, %swap3A_55] {strides = array<i32>} : memref<80x128xi32, #tpu.memory_space<vmem>>, vector<1x16xi32>,
      %swap3A_57 = vector.shape_cast %swap3A_56 : vector<1x16xi32> to vector<16xi32>
      %swap3A_58 = vector.shape_cast %shift_right_logical3A_54 : vector<16xi32> to vector<1x16xi32>
      tpu.vector_store %arg7[%swap3A, %swap3A_55], %swap3A_58 {strides = array<i32>} : memref<80x128xi32, #tpu.memory_space<vmem>>, vector<1x16xi32>,
      %and3A = arith.constant 16383 : i32
      %and3A_59 = vector.broadcast %and3A : i32 to vector<16xi32>
      %and3A_60 = arith.andi %get3A_49, %and3A_59 : vector<16xi32>
      %add3A_61 = arith.constant 0 : i32
      %add3A_62 = arith.addi %multiple_of3A_45, %add3A_61 : i32
      %swap3A_63 = arith.index_cast %add3A_62 : i32 to index
      %swap3A_64 = tpu.vector_load %arg6[%swap3A_63] {strides = array<i32>} : memref<10240xi32, #tpu.memory_space<vmem>>, vector<16xi32>,
      %swap3A_65 = vector.shape_cast %swap3A_64 : vector<16xi32> to vector<16xi32>
      %swap3A_66 = vector.shape_cast %and3A_60 : vector<16xi32> to vector<16xi32>
      tpu.vector_store %arg6[%swap3A_63], %swap3A_66 {strides = array<i32>} : memref<10240xi32, #tpu.memory_space<vmem>>, vector<16xi32>,
      %add3A_67 = arith.constant 16 : i32
      %add3A_68 = arith.addi %multiple_of3A_45, %add3A_67 : i32
      %get3A_69 = arith.index_cast %add3A_68 : i32 to index
      %get3A_70 = tpu.vector_load %arg6[%get3A_69] {strides = array<i32>} : memref<10240xi32, #tpu.memory_space<vmem>>, vector<16xi32>,
      %get3A_71 = vector.shape_cast %get3A_70 : vector<16xi32> to vector<16xi32>
      %shift_right_logical3A_72 = arith.constant 14 : i32
      %shift_right_logical3A_73 = vector.broadcast %shift_right_logical3A_72 : i32 to vector<16xi32>
      %shift_right_logical3A_74 = arith.shrui %get3A_71, %shift_right_logical3A_73 : vector<16xi32>
      %shift_right_logical3A_75 = arith.constant 1 : i32
      %shift_right_logical3A_76 = vector.broadcast %shift_right_logical3A_75 : i32 to vector<16xi32>
      %shift_right_logical3A_77 = arith.shrui %shift_right_logical3A_74, %shift_right_logical3A_76 : vector<16xi32>
      %swap3A_78 = arith.index_cast %while3A_41 : i32 to index
      %swap3A_79 = arith.constant 16 : index
      %swap3A_80 = tpu.vector_load %arg7[%swap3A_78, %swap3A_79] {strides = array<i32>} : memref<80x128xi32, #tpu.memory_space<vmem>>, vector<1x16xi32>,
      %swap3A_81 = vector.shape_cast %swap3A_80 : vector<1x16xi32> to vector<16xi32>
      %swap3A_82 = vector.shape_cast %shift_right_logical3A_77 : vector<16xi32> to vector<1x16xi32>
      tpu.vector_store %arg7[%swap3A_78, %swap3A_79], %swap3A_82 {strides = array<i32>} : memref<80x128xi32, #tpu.memory_space<vmem>>, vector<1x16xi32>,
      %and3A_83 = arith.constant 16383 : i32
      %and3A_84 = vector.broadcast %and3A_83 : i32 to vector<16xi32>
      %and3A_85 = arith.andi %get3A_71, %and3A_84 : vector<16xi32>
      %add3A_86 = arith.constant 16 : i32
      %add3A_87 = arith.addi %multiple_of3A_45, %add3A_86 : i32
      %swap3A_88 = arith.index_cast %add3A_87 : i32 to index
      %swap3A_89 = tpu.vector_load %arg6[%swap3A_88] {strides = array<i32>} : memref<10240xi32, #tpu.memory_space<vmem>>, vector<16xi32>,
      %swap3A_90 = vector.shape_cast %swap3A_89 : vector<16xi32> to vector<16xi32>
      %swap3A_91 = vector.shape_cast %and3A_85 : vector<16xi32> to vector<16xi32>
      tpu.vector_store %arg6[%swap3A_88], %swap3A_91 {strides = array<i32>} : memref<10240xi32, #tpu.memory_space<vmem>>, vector<16xi32>,
      %add3A_92 = arith.constant 32 : i32
      %add3A_93 = arith.addi %multiple_of3A_45, %add3A_92 : i32
      %get3A_94 = arith.index_cast %add3A_93 : i32 to index
      %get3A_95 = tpu.vector_load %arg6[%get3A_94] {strides = array<i32>} : memref<10240xi32, #tpu.memory_space<vmem>>, vector<16xi32>,
      %get3A_96 = vector.shape_cast %get3A_95 : vector<16xi32> to vector<16xi32>
      %shift_right_logical3A_97 = arith.constant 14 : i32
      %shift_right_logical3A_98 = vector.broadcast %shift_right_logical3A_97 : i32 to vector<16xi32>
      %shift_right_logical3A_99 = arith.shrui %get3A_96, %shift_right_logical3A_98 : vector<16xi32>
      %shift_right_logical3A_100 = arith.constant 1 : i32
      %shift_right_logical3A_101 = vector.broadcast %shift_right_logical3A_100 : i32 to vector<16xi32>
      %shift_right_logical3A_102 = arith.shrui %shift_right_logical3A_99, %shift_right_logical3A_101 : vector<16xi32>
      %swap3A_103 = arith.index_cast %while3A_41 : i32 to index
      %swap3A_104 = arith.constant 32 : index
      %swap3A_105 = tpu.vector_load %arg7[%swap3A_103, %swap3A_104] {strides = array<i32>} : memref<80x128xi32, #tpu.memory_space<vmem>>, vector<1x16xi32>,
      %swap3A_106 = vector.shape_cast %swap3A_105 : vector<1x16xi32> to vector<16xi32>
      %swap3A_107 = vector.shape_cast %shift_right_logical3A_102 : vector<16xi32> to vector<1x16xi32>
      tpu.vector_store %arg7[%swap3A_103, %swap3A_104], %swap3A_107 {strides = array<i32>} : memref<80x128xi32, #tpu.memory_space<vmem>>, vector<1x16xi32>,
      %and3A_108 = arith.constant 16383 : i32
      %and3A_109 = vector.broadcast %and3A_108 : i32 to vector<16xi32>
      %and3A_110 = arith.andi %get3A_96, %and3A_109 : vector<16xi32>
      %add3A_111 = arith.constant 32 : i32
      %add3A_112 = arith.addi %multiple_of3A_45, %add3A_111 : i32
      %swap3A_113 = arith.index_cast %add3A_112 : i32 to index
      %swap3A_114 = tpu.vector_load %arg6[%swap3A_113] {strides = array<i32>} : memref<10240xi32, #tpu.memory_space<vmem>>, vector<16xi32>,
      %swap3A_115 = vector.shape_cast %swap3A_114 : vector<16xi32> to vector<16xi32>
      %swap3A_116 = vector.shape_cast %and3A_110 : vector<16xi32> to vector<16xi32>
      tpu.vector_store %arg6[%swap3A_113], %swap3A_116 {strides = array<i32>} : memref<10240xi32, #tpu.memory_space<vmem>>, vector<16xi32>,
      %add3A_117 = arith.constant 48 : i32
      %add3A_118 = arith.addi %multiple_of3A_45, %add3A_117 : i32
      %get3A_119 = arith.index_cast %add3A_118 : i32 to index
      %get3A_120 = tpu.vector_load %arg6[%get3A_119] {strides = array<i32>} : memref<10240xi32, #tpu.memory_space<vmem>>, vector<16xi32>,
      %get3A_121 = vector.shape_cast %get3A_120 : vector<16xi32> to vector<16xi32>
      %shift_right_logical3A_122 = arith.constant 14 : i32
      %shift_right_logical3A_123 = vector.broadcast %shift_right_logical3A_122 : i32 to vector<16xi32>
      %shift_right_logical3A_124 = arith.shrui %get3A_121, %shift_right_logical3A_123 : vector<16xi32>
      %shift_right_logical3A_125 = arith.constant 1 : i32
      %shift_right_logical3A_126 = vector.broadcast %shift_right_logical3A_125 : i32 to vector<16xi32>
      %shift_right_logical3A_127 = arith.shrui %shift_right_logical3A_124, %shift_right_logical3A_126 : vector<16xi32>
      %swap3A_128 = arith.index_cast %while3A_41 : i32 to index
      %swap3A_129 = arith.constant 48 : index
      %swap3A_130 = tpu.vector_load %arg7[%swap3A_128, %swap3A_129] {strides = array<i32>} : memref<80x128xi32, #tpu.memory_space<vmem>>, vector<1x16xi32>,
      %swap3A_131 = vector.shape_cast %swap3A_130 : vector<1x16xi32> to vector<16xi32>
      %swap3A_132 = vector.shape_cast %shift_right_logical3A_127 : vector<16xi32> to vector<1x16xi32>
      tpu.vector_store %arg7[%swap3A_128, %swap3A_129], %swap3A_132 {strides = array<i32>} : memref<80x128xi32, #tpu.memory_space<vmem>>, vector<1x16xi32>,
      %and3A_133 = arith.constant 16383 : i32
      %and3A_134 = vector.broadcast %and3A_133 : i32 to vector<16xi32>
      %and3A_135 = arith.andi %get3A_121, %and3A_134 : vector<16xi32>
      %add3A_136 = arith.constant 48 : i32
      %add3A_137 = arith.addi %multiple_of3A_45, %add3A_136 : i32
      %swap3A_138 = arith.index_cast %add3A_137 : i32 to index
      %swap3A_139 = tpu.vector_load %arg6[%swap3A_138] {strides = array<i32>} : memref<10240xi32, #tpu.memory_space<vmem>>, vector<16xi32>,
      %swap3A_140 = vector.shape_cast %swap3A_139 : vector<16xi32> to vector<16xi32>
      %swap3A_141 = vector.shape_cast %and3A_135 : vector<16xi32> to vector<16xi32>
      tpu.vector_store %arg6[%swap3A_138], %swap3A_141 {strides = array<i32>} : memref<10240xi32, #tpu.memory_space<vmem>>, vector<16xi32>,
      %add3A_142 = arith.constant 64 : i32
      %add3A_143 = arith.addi %multiple_of3A_45, %add3A_142 : i32
      %get3A_144 = arith.index_cast %add3A_143 : i32 to index
      %get3A_145 = tpu.vector_load %arg6[%get3A_144] {strides = array<i32>} : memref<10240xi32, #tpu.memory_space<vmem>>, vector<16xi32>,
      %get3A_146 = vector.shape_cast %get3A_145 : vector<16xi32> to vector<16xi32>
      %shift_right_logical3A_147 = arith.constant 14 : i32
      %shift_right_logical3A_148 = vector.broadcast %shift_right_logical3A_147 : i32 to vector<16xi32>
      %shift_right_logical3A_149 = arith.shrui %get3A_146, %shift_right_logical3A_148 : vector<16xi32>
      %shift_right_logical3A_150 = arith.constant 1 : i32
      %shift_right_logical3A_151 = vector.broadcast %shift_right_logical3A_150 : i32 to vector<16xi32>
      %shift_right_logical3A_152 = arith.shrui %shift_right_logical3A_149, %shift_right_logical3A_151 : vector<16xi32>
      %swap3A_153 = arith.index_cast %while3A_41 : i32 to index
      %swap3A_154 = arith.constant 64 : index
      %swap3A_155 = tpu.vector_load %arg7[%swap3A_153, %swap3A_154] {strides = array<i32>} : memref<80x128xi32, #tpu.memory_space<vmem>>, vector<1x16xi32>,
      %swap3A_156 = vector.shape_cast %swap3A_155 : vector<1x16xi32> to vector<16xi32>
      %swap3A_157 = vector.shape_cast %shift_right_logical3A_152 : vector<16xi32> to vector<1x16xi32>
      tpu.vector_store %arg7[%swap3A_153, %swap3A_154], %swap3A_157 {strides = array<i32>} : memref<80x128xi32, #tpu.memory_space<vmem>>, vector<1x16xi32>,
      %and3A_158 = arith.constant 16383 : i32
      %and3A_159 = vector.broadcast %and3A_158 : i32 to vector<16xi32>
      %and3A_160 = arith.andi %get3A_146, %and3A_159 : vector<16xi32>
      %add3A_161 = arith.constant 64 : i32
      %add3A_162 = arith.addi %multiple_of3A_45, %add3A_161 : i32
      %swap3A_163 = arith.index_cast %add3A_162 : i32 to index
      %swap3A_164 = tpu.vector_load %arg6[%swap3A_163] {strides = array<i32>} : memref<10240xi32, #tpu.memory_space<vmem>>, vector<16xi32>,
      %swap3A_165 = vector.shape_cast %swap3A_164 : vector<16xi32> to vector<16xi32>
      %swap3A_166 = vector.shape_cast %and3A_160 : vector<16xi32> to vector<16xi32>
      tpu.vector_store %arg6[%swap3A_163], %swap3A_166 {strides = array<i32>} : memref<10240xi32, #tpu.memory_space<vmem>>, vector<16xi32>,
      %add3A_167 = arith.constant 80 : i32
      %add3A_168 = arith.addi %multiple_of3A_45, %add3A_167 : i32
      %get3A_169 = arith.index_cast %add3A_168 : i32 to index
      %get3A_170 = tpu.vector_load %arg6[%get3A_169] {strides = array<i32>} : memref<10240xi32, #tpu.memory_space<vmem>>, vector<16xi32>,
      %get3A_171 = vector.shape_cast %get3A_170 : vector<16xi32> to vector<16xi32>
      %shift_right_logical3A_172 = arith.constant 14 : i32
      %shift_right_logical3A_173 = vector.broadcast %shift_right_logical3A_172 : i32 to vector<16xi32>
      %shift_right_logical3A_174 = arith.shrui %get3A_171, %shift_right_logical3A_173 : vector<16xi32>
      %shift_right_logical3A_175 = arith.constant 1 : i32
      %shift_right_logical3A_176 = vector.broadcast %shift_right_logical3A_175 : i32 to vector<16xi32>
      %shift_right_logical3A_177 = arith.shrui %shift_right_logical3A_174, %shift_right_logical3A_176 : vector<16xi32>
      %swap3A_178 = arith.index_cast %while3A_41 : i32 to index
      %swap3A_179 = arith.constant 80 : index
      %swap3A_180 = tpu.vector_load %arg7[%swap3A_178, %swap3A_179] {strides = array<i32>} : memref<80x128xi32, #tpu.memory_space<vmem>>, vector<1x16xi32>,
      %swap3A_181 = vector.shape_cast %swap3A_180 : vector<1x16xi32> to vector<16xi32>
      %swap3A_182 = vector.shape_cast %shift_right_logical3A_177 : vector<16xi32> to vector<1x16xi32>
      tpu.vector_store %arg7[%swap3A_178, %swap3A_179], %swap3A_182 {strides = array<i32>} : memref<80x128xi32, #tpu.memory_space<vmem>>, vector<1x16xi32>,
      %and3A_183 = arith.constant 16383 : i32
      %and3A_184 = vector.broadcast %and3A_183 : i32 to vector<16xi32>
      %and3A_185 = arith.andi %get3A_171, %and3A_184 : vector<16xi32>
      %add3A_186 = arith.constant 80 : i32
      %add3A_187 = arith.addi %multiple_of3A_45, %add3A_186 : i32
      %swap3A_188 = arith.index_cast %add3A_187 : i32 to index
      %swap3A_189 = tpu.vector_load %arg6[%swap3A_188] {strides = array<i32>} : memref<10240xi32, #tpu.memory_space<vmem>>, vector<16xi32>,
      %swap3A_190 = vector.shape_cast %swap3A_189 : vector<16xi32> to vector<16xi32>
      %swap3A_191 = vector.shape_cast %and3A_185 : vector<16xi32> to vector<16xi32>
      tpu.vector_store %arg6[%swap3A_188], %swap3A_191 {strides = array<i32>} : memref<10240xi32, #tpu.memory_space<vmem>>, vector<16xi32>,
      %add3A_192 = arith.constant 96 : i32
      %add3A_193 = arith.addi %multiple_of3A_45, %add3A_192 : i32
      %get3A_194 = arith.index_cast %add3A_193 : i32 to index
      %get3A_195 = tpu.vector_load %arg6[%get3A_194] {strides = array<i32>} : memref<10240xi32, #tpu.memory_space<vmem>>, vector<16xi32>,
      %get3A_196 = vector.shape_cast %get3A_195 : vector<16xi32> to vector<16xi32>
      %shift_right_logical3A_197 = arith.constant 14 : i32
      %shift_right_logical3A_198 = vector.broadcast %shift_right_logical3A_197 : i32 to vector<16xi32>
      %shift_right_logical3A_199 = arith.shrui %get3A_196, %shift_right_logical3A_198 : vector<16xi32>
      %shift_right_logical3A_200 = arith.constant 1 : i32
      %shift_right_logical3A_201 = vector.broadcast %shift_right_logical3A_200 : i32 to vector<16xi32>
      %shift_right_logical3A_202 = arith.shrui %shift_right_logical3A_199, %shift_right_logical3A_201 : vector<16xi32>
      %swap3A_203 = arith.index_cast %while3A_41 : i32 to index
      %swap3A_204 = arith.constant 96 : index
      %swap3A_205 = tpu.vector_load %arg7[%swap3A_203, %swap3A_204] {strides = array<i32>} : memref<80x128xi32, #tpu.memory_space<vmem>>, vector<1x16xi32>,
      %swap3A_206 = vector.shape_cast %swap3A_205 : vector<1x16xi32> to vector<16xi32>
      %swap3A_207 = vector.shape_cast %shift_right_logical3A_202 : vector<16xi32> to vector<1x16xi32>
      tpu.vector_store %arg7[%swap3A_203, %swap3A_204], %swap3A_207 {strides = array<i32>} : memref<80x128xi32, #tpu.memory_space<vmem>>, vector<1x16xi32>,
      %and3A_208 = arith.constant 16383 : i32
      %and3A_209 = vector.broadcast %and3A_208 : i32 to vector<16xi32>
      %and3A_210 = arith.andi %get3A_196, %and3A_209 : vector<16xi32>
      %add3A_211 = arith.constant 96 : i32
      %add3A_212 = arith.addi %multiple_of3A_45, %add3A_211 : i32
      %swap3A_213 = arith.index_cast %add3A_212 : i32 to index
      %swap3A_214 = tpu.vector_load %arg6[%swap3A_213] {strides = array<i32>} : memref<10240xi32, #tpu.memory_space<vmem>>, vector<16xi32>,
      %swap3A_215 = vector.shape_cast %swap3A_214 : vector<16xi32> to vector<16xi32>
      %swap3A_216 = vector.shape_cast %and3A_210 : vector<16xi32> to vector<16xi32>
      tpu.vector_store %arg6[%swap3A_213], %swap3A_216 {strides = array<i32>} : memref<10240xi32, #tpu.memory_space<vmem>>, vector<16xi32>,
      %add3A_217 = arith.constant 112 : i32
      %add3A_218 = arith.addi %multiple_of3A_45, %add3A_217 : i32
      %get3A_219 = arith.index_cast %add3A_218 : i32 to index
      %get3A_220 = tpu.vector_load %arg6[%get3A_219] {strides = array<i32>} : memref<10240xi32, #tpu.memory_space<vmem>>, vector<16xi32>,
      %get3A_221 = vector.shape_cast %get3A_220 : vector<16xi32> to vector<16xi32>
      %shift_right_logical3A_222 = arith.constant 14 : i32
      %shift_right_logical3A_223 = vector.broadcast %shift_right_logical3A_222 : i32 to vector<16xi32>
      %shift_right_logical3A_224 = arith.shrui %get3A_221, %shift_right_logical3A_223 : vector<16xi32>
      %shift_right_logical3A_225 = arith.constant 1 : i32
      %shift_right_logical3A_226 = vector.broadcast %shift_right_logical3A_225 : i32 to vector<16xi32>
      %shift_right_logical3A_227 = arith.shrui %shift_right_logical3A_224, %shift_right_logical3A_226 : vector<16xi32>
      %swap3A_228 = arith.index_cast %while3A_41 : i32 to index
      %swap3A_229 = arith.constant 112 : index
      %swap3A_230 = tpu.vector_load %arg7[%swap3A_228, %swap3A_229] {strides = array<i32>} : memref<80x128xi32, #tpu.memory_space<vmem>>, vector<1x16xi32>,
      %swap3A_231 = vector.shape_cast %swap3A_230 : vector<1x16xi32> to vector<16xi32>
      %swap3A_232 = vector.shape_cast %shift_right_logical3A_227 : vector<16xi32> to vector<1x16xi32>
      tpu.vector_store %arg7[%swap3A_228, %swap3A_229], %swap3A_232 {strides = array<i32>} : memref<80x128xi32, #tpu.memory_space<vmem>>, vector<1x16xi32>,
      %and3A_233 = arith.constant 16383 : i32
      %and3A_234 = vector.broadcast %and3A_233 : i32 to vector<16xi32>
      %and3A_235 = arith.andi %get3A_221, %and3A_234 : vector<16xi32>
      %add3A_236 = arith.constant 112 : i32
      %add3A_237 = arith.addi %multiple_of3A_45, %add3A_236 : i32
      %swap3A_238 = arith.index_cast %add3A_237 : i32 to index
      %swap3A_239 = tpu.vector_load %arg6[%swap3A_238] {strides = array<i32>} : memref<10240xi32, #tpu.memory_space<vmem>>, vector<16xi32>,
      %swap3A_240 = vector.shape_cast %swap3A_239 : vector<16xi32> to vector<16xi32>
      %swap3A_241 = vector.shape_cast %and3A_235 : vector<16xi32> to vector<16xi32>
      tpu.vector_store %arg6[%swap3A_238], %swap3A_241 {strides = array<i32>} : memref<10240xi32, #tpu.memory_space<vmem>>, vector<16xi32>,
      %while3A_242 = arith.constant 0 : i32
      scf.yield %while3A_242 : i32
    }
    %barrier3A = arith.constant 0 : index
    tpu.barrier barrier_id(%barrier3A)
    %mul3A_21 = arith.constant 0 : i32
    %mul3A_22 = arith.constant 128 : i32
    %mul3A_23 = arith.muli %mul3A_21, %mul3A_22 : i32
    %multiple_of3A = tpu.assume_multiple %mul3A_23, 128 : i32
    %dma_start3A = tpu.memref_slice %arg6[%multiple_of3A] : memref<10240xi32, #tpu.memory_space<vmem>> -> memref<128xi32, #tpu.memory_space<vmem>>
    %dma_start3A_24 = arith.constant 0 : i32
    %dma_start3A_25 = arith.constant 0 : i32
    %dma_start3A_26 = tpu.memref_slice %arg2[%dma_start3A_24, %dma_start3A_25] : memref<10000x128xf32, #tpu.memory_space<hbm>> -> memref<10000x128xf32, #tpu.memory_space<hbm>>
    tpu.enqueue_indirect_dma source(%dma_start3A_26 : memref<10000x128xf32, #tpu.memory_space<hbm>>) target(%arg8 : memref<128x128xf32, #tpu.memory_space<vmem>>) offsets(%dma_start3A : memref<128xi32, #tpu.memory_space<vmem>>) semaphore(%arg12 : memref<!tpu.dma_semaphore, #tpu.memory_space<semaphore_mem>>)
    %while3A_27 = arith.constant 0 : i32
    %while3A_28 = arith.constant 40 : i32
    %while3A_29 = arith.constant 0 : i32
    %while3A_30 = arith.subi %while3A_28, %while3A_27 : i32
    %while3A_31 = arith.addi %while3A_27, %while3A_30 : i32
    %while3A_32 = arith.constant 1 : i32
    %while3A_33 = arith.divsi %while3A_30, %while3A_32 : i32
    %while3A_34 = arith.muli %while3A_33, %while3A_32 : i32
    %while3A_35 = arith.addi %while3A_27, %while3A_34 : i32
    %while3A_36 = arith.constant 1 : i32
    %while3A_37 = scf.for %while3A_41 = %while3A_27 to %while3A_35 step %while3A_36 iter_args(%while3A_42 = %while3A_29) -> (i32)  : i32 {
      %mul3A_43 = arith.constant 2 : i32
      %mul3A_44 = arith.muli %while3A_41, %mul3A_43 : i32
      %add3A_45 = arith.constant 1 : i32
      %add3A_46 = arith.addi %mul3A_44, %add3A_45 : i32
      %mul3A_47 = arith.constant 128 : i32
      %mul3A_48 = arith.muli %add3A_46, %mul3A_47 : i32
      %multiple_of3A_49 = tpu.assume_multiple %mul3A_48, 128 : i32
      %dma_start3A_50 = tpu.memref_slice %arg6[%multiple_of3A_49] : memref<10240xi32, #tpu.memory_space<vmem>> -> memref<128xi32, #tpu.memory_space<vmem>>
      %dma_start3A_51 = arith.constant 0 : i32
      %dma_start3A_52 = arith.constant 0 : i32
      %dma_start3A_53 = tpu.memref_slice %arg2[%dma_start3A_51, %dma_start3A_52] : memref<10000x128xf32, #tpu.memory_space<hbm>> -> memref<10000x128xf32, #tpu.memory_space<hbm>>
      tpu.enqueue_indirect_dma source(%dma_start3A_53 : memref<10000x128xf32, #tpu.memory_space<hbm>>) target(%arg9 : memref<128x128xf32, #tpu.memory_space<vmem>>) offsets(%dma_start3A_50 : memref<128xi32, #tpu.memory_space<vmem>>) semaphore(%arg13 : memref<!tpu.dma_semaphore, #tpu.memory_space<semaphore_mem>>)
      %dma_wait3A = arith.constant 0 : i32
      %dma_wait3A_54 = arith.constant 0 : i32
      %dma_wait3A_55 = tpu.memref_slice %arg2[%dma_wait3A, %dma_wait3A_54] : memref<10000x128xf32, #tpu.memory_space<hbm>> -> memref<128x128xf32, #tpu.memory_space<hbm>>
      %dma_wait3A_56 = arith.constant 0 : i32
      %dma_wait3A_57 = arith.constant 0 : i32
      %dma_wait3A_58 = tpu.memref_slice %arg2[%dma_wait3A_56, %dma_wait3A_57] : memref<10000x128xf32, #tpu.memory_space<hbm>> -> memref<128x128xf32, #tpu.memory_space<hbm>>
      tpu.wait_dma2 semaphore(%arg12 : memref<!tpu.dma_semaphore, #tpu.memory_space<semaphore_mem>>) src(%dma_wait3A_58 : memref<128x128xf32, #tpu.memory_space<hbm>>) dst(%arg8 : memref<128x128xf32, #tpu.memory_space<vmem>>)
      "tpu.region"() ({
        %run_scoped3A = tpu.sem_alloc : memref<!tpu.dma_semaphore, #tpu.memory_space<semaphore_mem>>
        %dma_start3A_70 = arith.constant 0 : i32
        %dma_start3A_71 = tpu.memref_slice %arg7[%mul3A_44, %dma_start3A_70] : memref<80x128xi32, #tpu.memory_space<vmem>> -> memref<1x128xi32, #tpu.memory_space<vmem>>
        %dma_start3A_72 = tpu.memref_squeeze %dma_start3A_71 : memref<1x128xi32, #tpu.memory_space<vmem>> -> memref<128xi32, #tpu.memory_space<vmem>>
        %dma_start3A_73 = arith.constant 0 : i32
        %dma_start3A_74 = arith.constant 0 : i32
        %dma_start3A_75 = tpu.memref_slice %arg11[%dma_start3A_73, %dma_start3A_74] : memref<5120x128xf32, #tpu.memory_space<vmem_shared>> -> memref<5120x128xf32, #tpu.memory_space<vmem_shared>>
        tpu.enqueue_indirect_dma source(%arg8 : memref<128x128xf32, #tpu.memory_space<vmem>>) target(%dma_start3A_75 : memref<5120x128xf32, #tpu.memory_space<vmem_shared>>) offsets(%dma_start3A_72 : memref<128xi32, #tpu.memory_space<vmem>>) semaphore(%run_scoped3A : memref<!tpu.dma_semaphore, #tpu.memory_space<semaphore_mem>>) {add = true}
        %dma_wait3A_76 = arith.constant 0 : i32
        %dma_wait3A_77 = tpu.memref_slice %arg7[%mul3A_44, %dma_wait3A_76] : memref<80x128xi32, #tpu.memory_space<vmem>> -> memref<1x128xi32, #tpu.memory_space<vmem>>
        %dma_wait3A_78 = tpu.memref_squeeze %dma_wait3A_77 : memref<1x128xi32, #tpu.memory_space<vmem>> -> memref<128xi32, #tpu.memory_space<vmem>>
        %dma_wait3A_79 = arith.constant 0 : i32
        %dma_wait3A_80 = arith.constant 0 : i32
        %dma_wait3A_81 = tpu.memref_slice %arg11[%dma_wait3A_79, %dma_wait3A_80] : memref<5120x128xf32, #tpu.memory_space<vmem_shared>> -> memref<5120x128xf32, #tpu.memory_space<vmem_shared>>
        tpu.wait_indirect_dma semaphore(%run_scoped3A : memref<!tpu.dma_semaphore, #tpu.memory_space<semaphore_mem>>) src(%arg8 : memref<128x128xf32, #tpu.memory_space<vmem>>) dst(%dma_wait3A_81 : memref<5120x128xf32, #tpu.memory_space<vmem_shared>>)
        tpu.yield
      }) : () -> ()
      %lt3A = arith.constant 39 : i32
      %lt3A_59 = arith.cmpi slt, %while3A_41, %lt3A : i32
      %convert_element_type3A = arith.extui %lt3A_59 : i1 to i32
      %cond3A = arith.constant 0 : i32
      %cond3A_60 = arith.cmpi ne, %convert_element_type3A, %cond3A : i32
      scf.if %cond3A_60 {
        %add3A_70 = arith.constant 2 : i32
        %add3A_71 = arith.addi %mul3A_44, %add3A_70 : i32
        %mul3A_72 = arith.constant 128 : i32
        %mul3A_73 = arith.muli %add3A_71, %mul3A_72 : i32
        %multiple_of3A_74 = tpu.assume_multiple %mul3A_73, 128 : i32
        %dma_start3A_75 = tpu.memref_slice %arg6[%multiple_of3A_74] : memref<10240xi32, #tpu.memory_space<vmem>> -> memref<128xi32, #tpu.memory_space<vmem>>
        %dma_start3A_76 = arith.constant 0 : i32
        %dma_start3A_77 = arith.constant 0 : i32
        %dma_start3A_78 = tpu.memref_slice %arg2[%dma_start3A_76, %dma_start3A_77] : memref<10000x128xf32, #tpu.memory_space<hbm>> -> memref<10000x128xf32, #tpu.memory_space<hbm>>
        tpu.enqueue_indirect_dma source(%dma_start3A_78 : memref<10000x128xf32, #tpu.memory_space<hbm>>) target(%arg8 : memref<128x128xf32, #tpu.memory_space<vmem>>) offsets(%dma_start3A_75 : memref<128xi32, #tpu.memory_space<vmem>>) semaphore(%arg12 : memref<!tpu.dma_semaphore, #tpu.memory_space<semaphore_mem>>)
      } else {
      }
      %dma_wait3A_61 = arith.constant 0 : i32
      %dma_wait3A_62 = arith.constant 0 : i32
      %dma_wait3A_63 = tpu.memref_slice %arg2[%dma_wait3A_61, %dma_wait3A_62] : memref<10000x128xf32, #tpu.memory_space<hbm>> -> memref<128x128xf32, #tpu.memory_space<hbm>>
      %dma_wait3A_64 = arith.constant 0 : i32
      %dma_wait3A_65 = arith.constant 0 : i32
      %dma_wait3A_66 = tpu.memref_slice %arg2[%dma_wait3A_64, %dma_wait3A_65] : memref<10000x128xf32, #tpu.memory_space<hbm>> -> memref<128x128xf32, #tpu.memory_space<hbm>>
      tpu.wait_dma2 semaphore(%arg13 : memref<!tpu.dma_semaphore, #tpu.memory_space<semaphore_mem>>) src(%dma_wait3A_66 : memref<128x128xf32, #tpu.memory_space<hbm>>) dst(%arg9 : memref<128x128xf32, #tpu.memory_space<vmem>>)
      %add3A_67 = arith.constant 1 : i32
      %add3A_68 = arith.addi %mul3A_44, %add3A_67 : i32
      "tpu.region"() ({
        %run_scoped3A = tpu.sem_alloc : memref<!tpu.dma_semaphore, #tpu.memory_space<semaphore_mem>>
        %dma_start3A_70 = arith.constant 0 : i32
        %dma_start3A_71 = tpu.memref_slice %arg7[%add3A_68, %dma_start3A_70] : memref<80x128xi32, #tpu.memory_space<vmem>> -> memref<1x128xi32, #tpu.memory_space<vmem>>
        %dma_start3A_72 = tpu.memref_squeeze %dma_start3A_71 : memref<1x128xi32, #tpu.memory_space<vmem>> -> memref<128xi32, #tpu.memory_space<vmem>>
        %dma_start3A_73 = arith.constant 0 : i32
        %dma_start3A_74 = arith.constant 0 : i32
        %dma_start3A_75 = tpu.memref_slice %arg11[%dma_start3A_73, %dma_start3A_74] : memref<5120x128xf32, #tpu.memory_space<vmem_shared>> -> memref<5120x128xf32, #tpu.memory_space<vmem_shared>>
        tpu.enqueue_indirect_dma source(%arg9 : memref<128x128xf32, #tpu.memory_space<vmem>>) target(%dma_start3A_75 : memref<5120x128xf32, #tpu.memory_space<vmem_shared>>) offsets(%dma_start3A_72 : memref<128xi32, #tpu.memory_space<vmem>>) semaphore(%run_scoped3A : memref<!tpu.dma_semaphore, #tpu.memory_space<semaphore_mem>>) {add = true}
        %dma_wait3A_76 = arith.constant 0 : i32
        %dma_wait3A_77 = tpu.memref_slice %arg7[%add3A_68, %dma_wait3A_76] : memref<80x128xi32, #tpu.memory_space<vmem>> -> memref<1x128xi32, #tpu.memory_space<vmem>>
        %dma_wait3A_78 = tpu.memref_squeeze %dma_wait3A_77 : memref<1x128xi32, #tpu.memory_space<vmem>> -> memref<128xi32, #tpu.memory_space<vmem>>
        %dma_wait3A_79 = arith.constant 0 : i32
        %dma_wait3A_80 = arith.constant 0 : i32
        %dma_wait3A_81 = tpu.memref_slice %arg11[%dma_wait3A_79, %dma_wait3A_80] : memref<5120x128xf32, #tpu.memory_space<vmem_shared>> -> memref<5120x128xf32, #tpu.memory_space<vmem_shared>>
        tpu.wait_indirect_dma semaphore(%run_scoped3A : memref<!tpu.dma_semaphore, #tpu.memory_space<semaphore_mem>>) src(%arg9 : memref<128x128xf32, #tpu.memory_space<vmem>>) dst(%dma_wait3A_81 : memref<5120x128xf32, #tpu.memory_space<vmem_shared>>)
        tpu.yield
      }) : () -> ()
      %while3A_69 = arith.constant 0 : i32
      scf.yield %while3A_69 : i32
    }
    %while3A_38 = arith.constant 1 : i32
    %while3A_39 = scf.for %while3A_41 = %while3A_35 to %while3A_31 step %while3A_38 iter_args(%while3A_42 = %while3A_37) -> (i32)  : i32 {
      %mul3A_43 = arith.constant 2 : i32
      %mul3A_44 = arith.muli %while3A_41, %mul3A_43 : i32
      %add3A_45 = arith.constant 1 : i32
      %add3A_46 = arith.addi %mul3A_44, %add3A_45 : i32
      %mul3A_47 = arith.constant 128 : i32
      %mul3A_48 = arith.muli %add3A_46, %mul3A_47 : i32
      %multiple_of3A_49 = tpu.assume_multiple %mul3A_48, 128 : i32
      %dma_start3A_50 = tpu.memref_slice %arg6[%multiple_of3A_49] : memref<10240xi32, #tpu.memory_space<vmem>> -> memref<128xi32, #tpu.memory_space<vmem>>
      %dma_start3A_51 = arith.constant 0 : i32
      %dma_start3A_52 = arith.constant 0 : i32
      %dma_start3A_53 = tpu.memref_slice %arg2[%dma_start3A_51, %dma_start3A_52] : memref<10000x128xf32, #tpu.memory_space<hbm>> -> memref<10000x128xf32, #tpu.memory_space<hbm>>
      tpu.enqueue_indirect_dma source(%dma_start3A_53 : memref<10000x128xf32, #tpu.memory_space<hbm>>) target(%arg9 : memref<128x128xf32, #tpu.memory_space<vmem>>) offsets(%dma_start3A_50 : memref<128xi32, #tpu.memory_space<vmem>>) semaphore(%arg13 : memref<!tpu.dma_semaphore, #tpu.memory_space<semaphore_mem>>)
      %dma_wait3A = arith.constant 0 : i32
      %dma_wait3A_54 = arith.constant 0 : i32
      %dma_wait3A_55 = tpu.memref_slice %arg2[%dma_wait3A, %dma_wait3A_54] : memref<10000x128xf32, #tpu.memory_space<hbm>> -> memref<128x128xf32, #tpu.memory_space<hbm>>
      %dma_wait3A_56 = arith.constant 0 : i32
      %dma_wait3A_57 = arith.constant 0 : i32
      %dma_wait3A_58 = tpu.memref_slice %arg2[%dma_wait3A_56, %dma_wait3A_57] : memref<10000x128xf32, #tpu.memory_space<hbm>> -> memref<128x128xf32, #tpu.memory_space<hbm>>
      tpu.wait_dma2 semaphore(%arg12 : memref<!tpu.dma_semaphore, #tpu.memory_space<semaphore_mem>>) src(%dma_wait3A_58 : memref<128x128xf32, #tpu.memory_space<hbm>>) dst(%arg8 : memref<128x128xf32, #tpu.memory_space<vmem>>)
      "tpu.region"() ({
        %run_scoped3A = tpu.sem_alloc : memref<!tpu.dma_semaphore, #tpu.memory_space<semaphore_mem>>
        %dma_start3A_70 = arith.constant 0 : i32
        %dma_start3A_71 = tpu.memref_slice %arg7[%mul3A_44, %dma_start3A_70] : memref<80x128xi32, #tpu.memory_space<vmem>> -> memref<1x128xi32, #tpu.memory_space<vmem>>
        %dma_start3A_72 = tpu.memref_squeeze %dma_start3A_71 : memref<1x128xi32, #tpu.memory_space<vmem>> -> memref<128xi32, #tpu.memory_space<vmem>>
        %dma_start3A_73 = arith.constant 0 : i32
        %dma_start3A_74 = arith.constant 0 : i32
        %dma_start3A_75 = tpu.memref_slice %arg11[%dma_start3A_73, %dma_start3A_74] : memref<5120x128xf32, #tpu.memory_space<vmem_shared>> -> memref<5120x128xf32, #tpu.memory_space<vmem_shared>>
        tpu.enqueue_indirect_dma source(%arg8 : memref<128x128xf32, #tpu.memory_space<vmem>>) target(%dma_start3A_75 : memref<5120x128xf32, #tpu.memory_space<vmem_shared>>) offsets(%dma_start3A_72 : memref<128xi32, #tpu.memory_space<vmem>>) semaphore(%run_scoped3A : memref<!tpu.dma_semaphore, #tpu.memory_space<semaphore_mem>>) {add = true}
        %dma_wait3A_76 = arith.constant 0 : i32
        %dma_wait3A_77 = tpu.memref_slice %arg7[%mul3A_44, %dma_wait3A_76] : memref<80x128xi32, #tpu.memory_space<vmem>> -> memref<1x128xi32, #tpu.memory_space<vmem>>
        %dma_wait3A_78 = tpu.memref_squeeze %dma_wait3A_77 : memref<1x128xi32, #tpu.memory_space<vmem>> -> memref<128xi32, #tpu.memory_space<vmem>>
        %dma_wait3A_79 = arith.constant 0 : i32
        %dma_wait3A_80 = arith.constant 0 : i32
        %dma_wait3A_81 = tpu.memref_slice %arg11[%dma_wait3A_79, %dma_wait3A_80] : memref<5120x128xf32, #tpu.memory_space<vmem_shared>> -> memref<5120x128xf32, #tpu.memory_space<vmem_shared>>
        tpu.wait_indirect_dma semaphore(%run_scoped3A : memref<!tpu.dma_semaphore, #tpu.memory_space<semaphore_mem>>) src(%arg8 : memref<128x128xf32, #tpu.memory_space<vmem>>) dst(%dma_wait3A_81 : memref<5120x128xf32, #tpu.memory_space<vmem_shared>>)
        tpu.yield
      }) : () -> ()
      %lt3A = arith.constant 39 : i32
      %lt3A_59 = arith.cmpi slt, %while3A_41, %lt3A : i32
      %convert_element_type3A = arith.extui %lt3A_59 : i1 to i32
      %cond3A = arith.constant 0 : i32
      %cond3A_60 = arith.cmpi ne, %convert_element_type3A, %cond3A : i32
      scf.if %cond3A_60 {
        %add3A_70 = arith.constant 2 : i32
        %add3A_71 = arith.addi %mul3A_44, %add3A_70 : i32
        %mul3A_72 = arith.constant 128 : i32
        %mul3A_73 = arith.muli %add3A_71, %mul3A_72 : i32
        %multiple_of3A_74 = tpu.assume_multiple %mul3A_73, 128 : i32
        %dma_start3A_75 = tpu.memref_slice %arg6[%multiple_of3A_74] : memref<10240xi32, #tpu.memory_space<vmem>> -> memref<128xi32, #tpu.memory_space<vmem>>
        %dma_start3A_76 = arith.constant 0 : i32
        %dma_start3A_77 = arith.constant 0 : i32
        %dma_start3A_78 = tpu.memref_slice %arg2[%dma_start3A_76, %dma_start3A_77] : memref<10000x128xf32, #tpu.memory_space<hbm>> -> memref<10000x128xf32, #tpu.memory_space<hbm>>
        tpu.enqueue_indirect_dma source(%dma_start3A_78 : memref<10000x128xf32, #tpu.memory_space<hbm>>) target(%arg8 : memref<128x128xf32, #tpu.memory_space<vmem>>) offsets(%dma_start3A_75 : memref<128xi32, #tpu.memory_space<vmem>>) semaphore(%arg12 : memref<!tpu.dma_semaphore, #tpu.memory_space<semaphore_mem>>)
      } else {
      }
      %dma_wait3A_61 = arith.constant 0 : i32
      %dma_wait3A_62 = arith.constant 0 : i32
      %dma_wait3A_63 = tpu.memref_slice %arg2[%dma_wait3A_61, %dma_wait3A_62] : memref<10000x128xf32, #tpu.memory_space<hbm>> -> memref<128x128xf32, #tpu.memory_space<hbm>>
      %dma_wait3A_64 = arith.constant 0 : i32
      %dma_wait3A_65 = arith.constant 0 : i32
      %dma_wait3A_66 = tpu.memref_slice %arg2[%dma_wait3A_64, %dma_wait3A_65] : memref<10000x128xf32, #tpu.memory_space<hbm>> -> memref<128x128xf32, #tpu.memory_space<hbm>>
      tpu.wait_dma2 semaphore(%arg13 : memref<!tpu.dma_semaphore, #tpu.memory_space<semaphore_mem>>) src(%dma_wait3A_66 : memref<128x128xf32, #tpu.memory_space<hbm>>) dst(%arg9 : memref<128x128xf32, #tpu.memory_space<vmem>>)
      %add3A_67 = arith.constant 1 : i32
      %add3A_68 = arith.addi %mul3A_44, %add3A_67 : i32
      "tpu.region"() ({
        %run_scoped3A = tpu.sem_alloc : memref<!tpu.dma_semaphore, #tpu.memory_space<semaphore_mem>>
        %dma_start3A_70 = arith.constant 0 : i32
        %dma_start3A_71 = tpu.memref_slice %arg7[%add3A_68, %dma_start3A_70] : memref<80x128xi32, #tpu.memory_space<vmem>> -> memref<1x128xi32, #tpu.memory_space<vmem>>
        %dma_start3A_72 = tpu.memref_squeeze %dma_start3A_71 : memref<1x128xi32, #tpu.memory_space<vmem>> -> memref<128xi32, #tpu.memory_space<vmem>>
        %dma_start3A_73 = arith.constant 0 : i32
        %dma_start3A_74 = arith.constant 0 : i32
        %dma_start3A_75 = tpu.memref_slice %arg11[%dma_start3A_73, %dma_start3A_74] : memref<5120x128xf32, #tpu.memory_space<vmem_shared>> -> memref<5120x128xf32, #tpu.memory_space<vmem_shared>>
        tpu.enqueue_indirect_dma source(%arg9 : memref<128x128xf32, #tpu.memory_space<vmem>>) target(%dma_start3A_75 : memref<5120x128xf32, #tpu.memory_space<vmem_shared>>) offsets(%dma_start3A_72 : memref<128xi32, #tpu.memory_space<vmem>>) semaphore(%run_scoped3A : memref<!tpu.dma_semaphore, #tpu.memory_space<semaphore_mem>>) {add = true}
        %dma_wait3A_76 = arith.constant 0 : i32
        %dma_wait3A_77 = tpu.memref_slice %arg7[%add3A_68, %dma_wait3A_76] : memref<80x128xi32, #tpu.memory_space<vmem>> -> memref<1x128xi32, #tpu.memory_space<vmem>>
        %dma_wait3A_78 = tpu.memref_squeeze %dma_wait3A_77 : memref<1x128xi32, #tpu.memory_space<vmem>> -> memref<128xi32, #tpu.memory_space<vmem>>
        %dma_wait3A_79 = arith.constant 0 : i32
        %dma_wait3A_80 = arith.constant 0 : i32
        %dma_wait3A_81 = tpu.memref_slice %arg11[%dma_wait3A_79, %dma_wait3A_80] : memref<5120x128xf32, #tpu.memory_space<vmem_shared>> -> memref<5120x128xf32, #tpu.memory_space<vmem_shared>>
        tpu.wait_indirect_dma semaphore(%run_scoped3A : memref<!tpu.dma_semaphore, #tpu.memory_space<semaphore_mem>>) src(%arg9 : memref<128x128xf32, #tpu.memory_space<vmem>>) dst(%dma_wait3A_81 : memref<5120x128xf32, #tpu.memory_space<vmem_shared>>)
        tpu.yield
      }) : () -> ()
      %while3A_69 = arith.constant 0 : i32
      scf.yield %while3A_69 : i32
    }
    %barrier3A_40 = arith.constant 0 : index
    tpu.barrier barrier_id(%barrier3A_40)
    "tpu.region"() ({
      %run_scoped3A = tpu.sem_alloc : memref<!tpu.dma_semaphore, #tpu.memory_space<semaphore_mem>>
      %dma_start3A_41 = arith.constant 0 : i32
      %dma_start3A_42 = tpu.memref_slice %arg5[%arg0, %mul3A_4, %dma_start3A_41] : memref<2x5120x128xf32, #tpu.memory_space<hbm>> -> memref<1x320x128xf32, #tpu.memory_space<hbm>>
      %dma_start3A_43 = tpu.memref_squeeze %dma_start3A_42 : memref<1x320x128xf32, #tpu.memory_space<hbm>> -> memref<320x128xf32, #tpu.memory_space<hbm>>
      %dma_start3A_44 = arith.constant 0 : i32
      %dma_start3A_45 = tpu.memref_slice %arg11[%mul3A_4, %dma_start3A_44] : memref<5120x128xf32, #tpu.memory_space<vmem_shared>> -> memref<320x128xf32, #tpu.memory_space<vmem_shared>>
      tpu.enqueue_dma source(%dma_start3A_45 : memref<320x128xf32, #tpu.memory_space<vmem_shared>>) target(%dma_start3A_43 : memref<320x128xf32, #tpu.memory_space<hbm>>) target_semaphore(%run_scoped3A : memref<!tpu.dma_semaphore, #tpu.memory_space<semaphore_mem>>)
      %dma_wait3A = arith.constant 0 : i32
      %dma_wait3A_46 = tpu.memref_slice %arg5[%arg0, %mul3A_4, %dma_wait3A] : memref<2x5120x128xf32, #tpu.memory_space<hbm>> -> memref<1x320x128xf32, #tpu.memory_space<hbm>>
      %dma_wait3A_47 = tpu.memref_squeeze %dma_wait3A_46 : memref<1x320x128xf32, #tpu.memory_space<hbm>> -> memref<320x128xf32, #tpu.memory_space<hbm>>
      %dma_wait3A_48 = arith.constant 0 : i32
      %dma_wait3A_49 = tpu.memref_slice %arg11[%mul3A_4, %dma_wait3A_48] : memref<5120x128xf32, #tpu.memory_space<vmem_shared>> -> memref<320x128xf32, #tpu.memory_space<vmem_shared>>
      tpu.wait_dma2 semaphore(%run_scoped3A : memref<!tpu.dma_semaphore, #tpu.memory_space<semaphore_mem>>) src(%dma_wait3A_49 : memref<320x128xf32, #tpu.memory_space<vmem_shared>>) dst(%dma_wait3A_47 : memref<320x128xf32, #tpu.memory_space<hbm>>)
      tpu.yield
    }) : () -> ()
    return
  }
}

</mosaic_0001>

<sc_bundles>
// kernel: _sc_conv1.3.cloned.1.call-start
scs
__scs_entry_jumppad:
0x0: {  	(pc) =	sbr.rel $0x88, $3  }
0x1: {  	(tag) =	ssettag $0x0;
	lr =	simm.s32 $0x1  }
0x2: {  	[smem:$0x3F9F] =	sst lr;
	_ =	strace $0xD0000000  }
0x3: {  	_ = 	snop  }
0x4: {  	_ = 	snop  }
0x5: {  	_ = 	snop  }
0x6: {  	_ = 	snop  }
0x7: {  	_ = 	snop  }
__scs_overlays_trampoline_lowered:
0x8: {  	[smem:$0x3FAE] =	sst s0  }
0x9: {  	[smem:$0x3FAF] =	sst s1  }
0xa: {  	[smem:$0x3FB0] =	sst s2  }
0xb: {  	[smem:$0x3FB1] =	sst s3  }
0xc: {  	[smem:$0x3FB2] =	sst s4  }
0xd: {  	[smem:$0x3FB3] =	sst s5  }
0xe: {  	[smem:$0x3FB4] =	sst s6  }
0xf: {  	[smem:$0x3FB5] =	sst s7  }
0x10: {  	[smem:$0x3FB6] =	sst s8  }
0x11: {  	[smem:$0x3FB7] =	sst s9;
	s0 =	simm.s32 @!p0 $0x0  }
0x12: {  	s1 =	sld [smem:$0x3F9D];
	s0 =	simm.s32 @p0 $0x1  }
0x13: {  	[smem:$0x3FB8] =	sst s0;
	s0 =	simm.s32 @!p1 $0x0  }
0x14: {  	s2 =	sld [smem:$0x3F9C];
	s0 =	simm.s32 @p1 $0x1  }
0x15: {  	[smem:$0x3FB9] =	sst s0;
	s0 =	simm.s32 @!p2 $0x0  }
0x16: {  	s3 =	sld [smem:$0x3FDB];
	s0 =	simm.s32 @p2 $0x1  }
0x17: {  	s4 =	simm.s32 $0x1BF5;
	[smem:$0x3FBB] =	sst s0  }
0x18: {  	s0 =	sld [smem:$0x3F9E];
	_ =	swait.ge [sflag:s4], $0x0  }
0x19: {  	s7 =	sld [smem:$0x3F9F]  }
0x1a: {  	s8 =	sadd.s32 $0xFFFFE003, lr  }
0x1b: {  	s9 =	sadd.s32 $0xFFFFFEF7, lr;
	s5 =	simm.s32 $0xFFFFFFFF;
	p2 =	slt.u32 s8, $0xFFFFF086  }
0x1c: {  	p1 =	slt.u32 s9, $0xF7A;
	s5 =	simm.s32 @!p2 $0x0  }
0x1d: {  	s5 =	simm.s32 @p1 $0x1;
	p0 =	seq.s32 s7, s2  }
0x1e: {  	s7 =	smul.u32 @!p0 $0xF7A, s2;
	p2 =	seq.s32 @!p0 s5, $0x0  }
0x1f: {  	s9 =	smul.u32 $0xF7A, s1;
	s8 =	simm.s32 @!p0 $0x1BF5;
	p2 =	por !p2, p0  }
0x20: {  	[sflag:s8] =	ssyncset.s32 @!p0 $0xFFFFF086;
	s6 =	sadd.s32 @!p0 s3, s7;
	s7 =	simm.s32 @!p0 $0x108  }
0x21: {  	s3 =	sadd.s32 s3, s9;
	s6 =	sadd.s32 @!p0 $0x88, s6;
	s7 =	simm.s32 @p2 $0x1082  }
0x22: {  	[simem:s7], [sflag:s8] =	dma.local @!p0 [hbm:s6], $0xF7A  }
0x23: {  	s9 =	sor.u32 $0xD0000000, s2;
	s6 =	simm.s32 $0x108;
	_ =	swait.ge @!p0 [sflag:s8], $0x0  }
0x24: {  	s3 =	sadd.s32 $0x88, s3;
	s6 =	simm.s32 @!p1 $0x1082;
	[sflag:s4] =	ssyncset.s32 $0xFFFFF086  }
0x25: {  	[simem:s6], [sflag:s4] =	dma.local [hbm:s3], $0xF7A  }
0x26: {  	[smem:$0x3F9F] =	sst s1;
	(tag) =	ssettag s2;
	_ =	strace s9  }
0x27: {  	s1 =	sld [smem:$0x3FAF]  }
0x28: {  	s2 =	sld [smem:$0x3FB0]  }
0x29: {  	s4 =	sld [smem:$0x3FB2]  }
0x2a: {  	p0 =	seq.s32 s5, $0x0;
	s5 =	sld [smem:$0x3FB3]  }
0x2b: {  	s6 =	sld [smem:$0x3FB4]  }
0x2c: {  	s7 =	sld [smem:$0x3FB5]  }
0x2d: {  	s3 =	simm.s32 $0x108;
	s8 =	sld [smem:$0x3FB6]  }
0x2e: {  	s3 =	simm.s32 @!p0 $0x1082;
	s9 =	sld [smem:$0x3FB7]  }
0x2f: {  	lr =	sadd.s32 s0, s3;
	s0 =	sld [smem:$0x3FAE]  }
0x30: {  	s3 =	sld [smem:$0x3FB1]  }
0x31: {  	[smem:$0x3FBA] =	sst s10  }
0x32: {  	s10 =	sld [smem:$0x3FB8];
	_ =	sdelay $0x3  }
0x33: {  	p0 =	seq.s32 s10, $0x1;
	s10 =	sld [smem:$0x3FBA];
	_ =	sdelay $0x3  }
0x34: {  	[smem:$0x3FBA] =	sst s10  }
0x35: {  	s10 =	sld [smem:$0x3FB9];
	_ =	sdelay $0x3  }
0x36: {  	p1 =	seq.s32 s10, $0x1;
	s10 =	sld [smem:$0x3FBA];
	_ =	sdelay $0x3  }
0x37: {  	[smem:$0x3FBA] =	sst s10  }
0x38: {  	s10 =	sld [smem:$0x3FBB]  }
0x39: {  	_ = 	snop;
	(pc) =	sbr.ind lr, $3  }
0x3a: {  	_ = 	snop  }
0x3b: {  	_ = 	snop  }
0x3c: {  	p2 =	seq.s32 s10, $0x1;
	s10 =	sld [smem:$0x3FBA]  }
0x3d: {  	_ =	shalt  }
0x3e: {  	_ =	shalt  }
0x3f: {  	_ =	shalt  }
0x40: {  	_ =	shalt  }
0x41: {  	_ =	shalt  }
0x42: {  	_ =	shalt  }
0x43: {  	_ =	shalt  }
0x44: {  	_ =	shalt  }
0x45: {  	_ =	shalt  }
0x46: {  	_ =	shalt  }
0x47: {  	_ =	shalt  }
0x48: {  	_ =	shalt  }
0x49: {  	_ =	shalt  }
0x4a: {  	_ =	shalt  }
0x4b: {  	_ =	shalt  }
0x4c: {  	_ =	shalt  }
0x4d: {  	_ =	shalt  }
0x4e: {  	_ =	shalt  }
0x4f: {  	_ =	shalt  }
0x50: {  	_ =	shalt  }
0x51: {  	_ =	shalt  }
0x52: {  	_ =	shalt  }
0x53: {  	_ =	shalt  }
0x54: {  	_ =	shalt  }
0x55: {  	_ =	shalt  }
0x56: {  	_ =	shalt  }
0x57: {  	_ =	shalt  }
0x58: {  	_ =	shalt  }
0x59: {  	_ =	shalt  }
0x5a: {  	_ =	shalt  }
0x5b: {  	_ =	shalt  }
0x5c: {  	_ =	shalt  }
0x5d: {  	_ =	shalt  }
0x5e: {  	_ =	shalt  }
0x5f: {  	_ =	shalt  }
0x60: {  	_ =	shalt  }
0x61: {  	_ =	shalt  }
0x62: {  	_ =	shalt  }
0x63: {  	_ =	shalt  }
0x64: {  	_ =	shalt  }
0x65: {  	_ =	shalt  }
0x66: {  	_ =	shalt  }
0x67: {  	_ =	shalt  }
0x68: {  	_ =	shalt  }
0x69: {  	_ =	shalt  }
0x6a: {  	_ =	shalt  }
0x6b: {  	_ =	shalt  }
0x6c: {  	_ =	shalt  }
0x6d: {  	_ =	shalt  }
0x6e: {  	_ =	shalt  }
0x6f: {  	_ =	shalt  }
0x70: {  	_ =	shalt  }
0x71: {  	_ =	shalt  }
0x72: {  	_ =	shalt  }
0x73: {  	_ =	shalt  }
0x74: {  	_ =	shalt  }
0x75: {  	_ =	shalt  }
0x76: {  	_ =	shalt  }
0x77: {  	_ =	shalt  }
0x78: {  	_ =	shalt  }
0x79: {  	_ =	shalt  }
0x7a: {  	_ =	shalt  }
0x7b: {  	_ =	shalt  }
0x7c: {  	_ =	shalt  }
0x7d: {  	_ =	shalt  }
0x7e: {  	_ =	shalt  }
0x7f: {  	_ =	shalt  }
0x80: {  	_ =	shalt  }
0x81: {  	_ =	shalt  }
0x82: {  	_ =	shalt  }
0x83: {  	_ =	shalt  }
0x84: {  	_ =	shalt  }
0x85: {  	_ =	shalt  }
0x86: {  	_ =	shalt  }
0x87: {  	_ =	shalt  }
.Lfunc_end0:
.L_simem_size_0:
called_computation_lowered:
.L_overlay_start_0:
0x88: {  	s2 =	sld [smem:$0x3FD9]  }
0x89: {  	s3 =	sld [smem:$0x3FFE];
	_ =	sdelay $0x1  }
0x8a: {  	s1 =	srdreg.scid  }
0x8b: {  	s0 =	sand.u32 $0x1, s1  }
0x8c: {  	s17 =	sshll.u32 s0, $0xA;
	s2 =	sadd.s32 s3, s2  }
0x8d: {  	s2 =	sadd.s32 s2, s17  }
0x8e: {  	[smem:$0x3FC6] =	sst s2  }
0x8f: {  	_ = 	snop  }
0x90: {  	s2 =	sld [smem:$0x3FC9]  }
0x91: {  	s18 =	sld [smem:$0x3FC8]  }
0x92: {  	s4 =	sld [smem:$0x3FD0];
	(tm) =	ssettm $0x1  }
0x93: {  	s5 =	sld [smem:$0x3FFB];
	_ =	sdelay $0x3  }
0x94: {  	_ =	strace s5  }
0x95: {  	s5 =	sld [smem:$0x3FFC];
	_ =	sdelay $0x3  }
0x96: {  	_ =	strace s5  }
0x97: {  	s5 =	sld [smem:$0x3FFD];
	_ =	sdelay $0x3  }
0x98: {  	_ =	strace s5  }
0x99: {  	_ =	strace $0x8FFFFFFF  }
0x9a: {  	s19 =	sld [smem:$0x3FDB];
	_ =	sdelay $0x1  }
0x9b: {  	s6 =	simm.s32 $_scs_section_size  }
0x9c: {  	s7 =	simm.s32 $_size__tile_overlayer_lowered;
	s8 =	simm.s32 $_tile_overlayer_lowered  }
0x9d: {  	s22 =	simm.s32 $0x1BFF;
	s21 =	sshll.u32 s8, $0x1;
	s5 =	sadd.s32 s6, s19  }
0x9e: {  	s9 =	simm.s32 $0x0;
	s20 =	sshll.u32 s7, $0x1;
	s7 =	sadd.s32 s21, s5  }
0x9f: {  	[timem:s9], [sflag:s22] =	dma.local [hbm:s7], s20  }
0xa0: {  	_ =	swait.ge [sflag:s22], s20  }
0xa1: {  	s6 =	ssub.s32 $0x0, s20;
	[sflag:s22] =	ssyncset.done $0x0  }
0xa2: {  	[sflag:s22] =	ssyncadd.s32 s6;
	_ =	sdelay $0x1  }
0xa3: {  	s23 =	simm.s32 $0x1B8B  }
0xa4: {  	_ =	swait.ge [sflag:s23], $0x1  }
0xa5: {  	[sflag:s23] =	ssyncset.done $0x0  }
0xa6: {  	s25 =	simm.s32 $0x1B8E;
	s24 =	sld [smem:$0x3FFE];
	[sflag:s23] =	ssyncadd.s32 $0xFFFFFFFF  }
0xa7: {  	s26 =	simm.s32 $execute0_lowered;
	[smem:$0x3FD2] =	sst s25  }
0xa8: {  	s7 =	sshll.u32 s26, $0x1;
	_ =	strace $0x80000046;
	[dreg:$0x1] =	wrdreg $0xFFFFFFFF  }
0xa9: {  	s28 =	simm.s32 $_size_execute0_lowered;
	s5 =	sadd.s32 s5, s7;
	[dreg:$0x0] =	wrdreg $0x0  }
0xaa: {  	s7 =	sshll.u32 s28, $0x1;
	[dreg:$0x2] =	wrdreg s5  }
0xab: {  	[dreg:$0x3] =	wrdreg s7  }
0xac: {  	[dreg:$0x4] =	wrdreg $0xC0  }
0xad: {  	_ =	task [dreg:s9], $0x5FFFF  }
0xae: {  	[dreg:$0x1] =	wrdreg $0xFFFFFFFF  }
0xaf: {  	[dreg:$0x0] =	wrdreg $0x60  }
0xb0: {  	[dreg:$0x2] =	wrdreg s2  }
0xb1: {  	[dreg:$0x3] =	wrdreg s18  }
0xb2: {  	[dreg:$0x4] =	wrdreg s24  }
0xb3: {  	[dreg:$0x5] =	wrdreg s4  }
0xb4: {  	[dreg:$0x6] =	wrdreg $0x110000  }
0xb5: {  	[dreg:$0x7] =	wrdreg $0x9  }
0xb6: {  	_ =	task.clear_ibuf [dreg:s9], $0x8FFFF;
	_ =	strace $0x90000046  }
0xb7: {  	s29 =	simm.s32 $0x9;
	_ =	strace $0x80000048  }
0xb8: {  	_ =	swait.ge [sflag:s29], $0x1  }
0xb9: {  	[sflag:s29] =	ssyncadd.s32 $0xFFFFFFFF  }
0xba: {  	_ =	strace $0x90000048  }
0xbb: {  	_ =	sfence  }
0xbc: {  	s30 =	sld [smem:$0x0];
	_ =	sdelay $0x2  }
0xbd: {  	s31 =	sshll.u32 s1, $0xD;
	s1 =	sshrl.u32 s1, $0x2  }
0xbe: {  	s3 =	sand.u32 $0x4000, s31;
	s1 =	sadd.s32 s1, s30  }
0xbf: {  	s0 =	sor.u32 s3, s0;
	s1 =	sshll.u32 s1, $0x11  }
0xc0: {  	s0 =	sor.u32 s1, s0  }
0xc1: {  	s0 =	sadd.s32 $0x8F2B, s0  }
0xc2: {  	[sflag:s0] =	ssyncadd.remote.s32 $0x1  }
0xc3: {  	_ =	sfence.sel $0xFFFF  }
0xc4: {  	[dreg:$0x0] =	wrdreg $0xFFFFFFFF;
	(pc) =	sbr.abs _section_cstart, $3  }
0xc5: {  	[dreg:$0x1] =	wrdreg $0xFFFFFFFF  }
0xc6: {  	_ =	task.clear_ibuf [dreg:s9], $0x2FFFF;
	_ =	strace $0x9FFFFFFF  }
0xc7: {  	(tm) =	ssettm $0x7FFFFFFF  }
tec
execute0_lowered:
.L_overlay_start_1:
0x0: {  	(tag) =	ssettag $0x1  }
0x1: {  	s1 =	rddreg [dreg:$0x0]  }
0x2: {  	s6 =	rddreg [dreg:$0x1]  }
0x3: {  	s5 =	rddreg [dreg:$0x2]  }
0x4: {  	s10 =	rddreg [dreg:$0x3]  }
0x5: {  	s3 =	rddreg [dreg:$0x4]  }
0x6: {  	s0 =	rddreg [dreg:$0x5]  }
0x7: {  	s4 =	simm.s32 $0x0;
	s7 =	srdreg.scid;
	s2 =	stileid.u32  }
0x8: {  	s14 =	simm.s32 $0x80;
	s15 =	simm.s32 $0x5000;
	s16 =	simm.s32 $0x9000  }
0x9: {  	s17 =	simm.s32 $0x1;
	s18 =	simm.s32 $0x2;
	s19 =	simm.s32 $0x2780  }
0xa: {  	s20 =	simm.s32 $0x4F00;
	s21 =	simm.s32 $0x4F80;
	s24 =	simm.s32 $0x0  }
0xb: {  	[smem:$0x7FF] =	sst s4;
	s7 =	sand.u32 $0x1, s7;
	s8 =	smul.u32 $0x28000, s2  }
0xc: {  	s9 =	sshll.u32 s2, $0x1;
	s31 =	smul.u32 $0xA000, s2;
	s5 =	sadd.s32 $0x400, s5  }
0xd: {  	s22 =	sshll.u32 s2, $0x6;
	_ =	strace $0x80000047;
	s11 =	smul.u32 $0xA0000, s7  }
0xe: {  	s12 =	ssub.s32 $0x2, s7;
	s7 =	sor.u32 s7, s9;
	s22 =	sor.u32 $0x1C03, s22  }
0xf: {  	s13 =	sshrl.u32 s12, $0x1;
	s7 =	smul.u32 $0x500, s7;
	s8 =	sshrl.u32 s8, $0x2  }
0x10: {  	s12 =	ssub.s32 s12, s13;
	s9 =	sadd.s32 s31, s11;
	s13 =	simm.s32 $0xD000  }
0x11: {  	s6 =	sadd.s32 s6, s7;
	s7 =	sadd.s32 s8, s3;
	s11 =	sshrl.u32 s9, $0x3  }
0x12: {  	s8 =	sadd.s32 $0x4000, s7;
	s9 =	sadd.s32 $0x8000, s7;
	s10 =	sadd.s32 s10, s11  }
0x13: {  	s11 =	smax.u32 s12, $0x1;
	s12 =	simm.s32 $0x3;
	s23 =	sshrl.u32 s7, $0x3  }
.LBB2_1:
0x14: {  	[tilespmem:s4], [sflag:$0x3] =	stream.linear.gather [hbm4b:s6+s4], $0x2800, $0x38;
	[tilespmem:$0x1B000] =	vst v63  }
0x15: {  	_ =	swait.ge [sflag:s12], $0x2800  }
0x16: {  	[sflag:s12] =	ssyncset.done $0x0  }
0x17: {  	[sflag:s12] =	ssyncadd.s32 $0xFFFFD800  }
0x18: {  	[tilespmem:s13], [sflag:$0x3] =	stream.linear.gather [hbm4b:s5+s4], $0x4000, $0x38;
	[tilespmem:$0x1B000] =	vst v63  }
0x19: {  	_ =	swait.ge [sflag:s12], $0x4000  }
0x1a: {  	[sflag:s12] =	ssyncset.done $0x0  }
0x1b: {  	[sflag:s12] =	ssyncadd.s32 $0xFFFFC000  }
0x1c: {  	[spmem:s7] =	stream.linear.scatter [tilespmem:s13], [sflag:$0x3], $0x4000, $0x38;
	[tilespmem:$0x1B000] =	vst v63  }
0x1d: {  	_ =	swait.ge [sflag:s12], $0x4000  }
0x1e: {  	[sflag:s12] =	ssyncset.done $0x0  }
0x1f: {  	[sflag:s12] =	ssyncadd.s32 $0xFFFFC000  }
0x20: {  	[spmem:s8] =	stream.linear.scatter [tilespmem:s13], [sflag:$0x3], $0x4000, $0x38;
	[tilespmem:$0x1B000] =	vst v63  }
0x21: {  	_ =	swait.ge [sflag:s12], $0x4000  }
0x22: {  	[sflag:s12] =	ssyncset.done $0x0  }
0x23: {  	[sflag:s12] =	ssyncadd.s32 $0xFFFFC000  }
0x24: {  	[spmem:s9] =	stream.linear.scatter [tilespmem:s13], [sflag:$0x3], $0x2000, $0x38;
	[tilespmem:$0x1B000] =	vst v63  }
0x25: {  	_ =	swait.ge [sflag:s12], $0x2000  }
0x26: {  	[sflag:s12] =	ssyncset.done $0x0  }
0x27: {  	s25 =	simm.s32 $0x0;
	[sflag:s12] =	ssyncadd.s32 $0xFFFFE000  }
0x28: {  	v0 =	vld [tilespmem:s25+$0x0]  }
0x29: {  	v6 =	vld [tilespmem:s25+$0x10]  }
0x2a: {  	v5 =	vld [tilespmem:s25+$0x20]  }
0x2b: {  	v4 =	vld [tilespmem:s25+$0x30]  }
0x2c: {  	v2 =	vld [tilespmem:s25+$0x40]  }
0x2d: {  	v3 =	vld [tilespmem:s25+$0x50];
	v1 =	vand.u32 $0x3FFF, v0  }
0x2e: {  	s26 =	simm.s32 $0x200;
	v0 =	vshrl.u32 v0, $0xF;
	v7 =	vand.u32 $0x3FFF, v6;
	[tilespmem:s25+$0x0] =	vst v1;
	v1 =	vshrl.u32 v6, $0xF;
	v6 =	vld [tilespmem:s25+$0x60]  }
.LBB2_2:
0x2f: {  	p0 =	sne.s32 s26, $0x9E00;
	[tilespmem:s25+$0x10] =	vst v7;
	v7 =	vshrl.u32 v5, $0xF;
	v5 =	vand.u32 $0x3FFF, v5;
	v8 =	vld [tilespmem:s25+$0x70]  }
0x30: {  	[tilespmem:s25+$0x20] =	vst v5;
	v5 =	vshrl.u32 v4, $0xF;
	v4 =	vand.u32 $0x3FFF, v4  }
0x31: {  	[tilespmem:s25+$0x30] =	vst v4;
	v4 =	vshrl.u32 v2, $0xF;
	v2 =	vand.u32 $0x3FFF, v2  }
0x32: {  	[tilespmem:s25+$0x40] =	vst v2;
	v2 =	vshrl.u32 v3, $0xF;
	v3 =	vand.u32 $0x3FFF, v3  }
0x33: {  	[tilespmem:s25+$0x50] =	vst v3;
	v3 =	vshrl.u32 v6, $0xF;
	v6 =	vand.u32 $0x3FFF, v6  }
0x34: {  	[tilespmem:s25+$0x60] =	vst v6;
	v6 =	vshrl.u32 v8, $0xF;
	v8 =	vand.u32 $0x3FFF, v8  }
0x35: {  	[tilespmem:s25+$0x70] =	vst v8  }
0x36: {  	[tilespmem:s25+$0x2800] =	vst v0  }
0x37: {  	s28 =	sshra.s32 s26, $0x2;
	[tilespmem:s25+$0x2810] =	vst v1  }
0x38: {  	v1 =	vld [tilespmem:s28+$0x0];
	[tilespmem:s25+$0x2820] =	vst v7  }
0x39: {  	v7 =	vld [tilespmem:s28+$0x10];
	[tilespmem:s25+$0x2830] =	vst v5  }
.Ltmp0:
0x3a: {  	v5 =	vld [tilespmem:s28+$0x20];
	[tilespmem:s25+$0x2840] =	vst v4;
	(pc) =	sbr.rel @p0 .LBB2_2-.Ltmp0, $4  }
0x3b: {  	v4 =	vld [tilespmem:s28+$0x30];
	[tilespmem:s25+$0x2850] =	vst v2  }
0x3c: {  	v2 =	vld [tilespmem:s28+$0x40];
	[tilespmem:s25+$0x2860] =	vst v3  }
0x3d: {  	v0 =	vshrl.u32 v1, $0xF;
	v1 =	vand.u32 $0x3FFF, v1;
	v3 =	vld [tilespmem:s28+$0x50];
	[tilespmem:s25+$0x2870] =	vst v6;
	s25 =	smov.u32 s28  }
0x3e: {  	s26 =	sadd.s32 $0x200, s26;
	[tilespmem:s25+$0x0] =	vst v1;
	v1 =	vshrl.u32 v7, $0xF;
	v7 =	vand.u32 $0x3FFF, v7;
	v6 =	vld [tilespmem:s25+$0x60]  }
0x3f: {  	[tilespmem:s25+$0x10] =	vst v7  }
0x40: {  	[tilespmem:s25+$0x2800] =	vst v0  }
0x41: {  	v52 =	vand.u32 $0x3FFF, v5;
	[tilespmem:s25+$0x2810] =	vst v1  }
0x42: {  	v58 =	vshrl.u32 v5, $0xF;
	[tilespmem:s25+$0x20] =	vst v52  }
0x43: {  	v53 =	vand.u32 $0x3FFF, v4;
	[tilespmem:s25+$0x2820] =	vst v58  }
0x44: {  	v59 =	vshrl.u32 v4, $0xF;
	[tilespmem:s25+$0x30] =	vst v53  }
0x45: {  	v54 =	vand.u32 $0x3FFF, v2;
	[tilespmem:s25+$0x2830] =	vst v59  }
0x46: {  	v8 =	vld [tilespmem:s25+$0x70];
	v60 =	vshrl.u32 v2, $0xF;
	[tilespmem:s25+$0x40] =	vst v54  }
0x47: {  	v55 =	vand.u32 $0x3FFF, v3;
	[tilespmem:s25+$0x2840] =	vst v60  }
0x48: {  	v61 =	vshrl.u32 v3, $0xF;
	[tilespmem:s25+$0x50] =	vst v55  }
0x49: {  	v56 =	vand.u32 $0x3FFF, v6;
	[tilespmem:s25+$0x2850] =	vst v61  }
0x4a: {  	v62 =	vshrl.u32 v6, $0xF;
	[tilespmem:s25+$0x60] =	vst v56  }
0x4b: {  	v57 =	vand.u32 $0x3FFF, v8;
	[tilespmem:s25+$0x2860] =	vst v62  }
0x4c: {  	v63 =	vshrl.u32 v8, $0xF;
	[tilespmem:s25+$0x70] =	vst v57  }
0x4d: {  	[tilespmem:s25+$0x2870] =	vst v63  }
0x4e: {  	s26 =	simm.s32 $0x0;
	[bflag:$0x0] =	sbarrier.arrive $0xFFFF  }
0x4f: {  	[tilespmem:s15], [sflag:$0x1] =	stream.indirect.gather [hbm4b:s1+s14], $0x80, s26, s14, $0xb8;
	[tilespmem:$0x1B000] =	vst v63  }
0x50: {  	s28 =	simm.s32 $0x80  }
0x51: {  	[tilespmem:s16], [sflag:$0x2] =	stream.indirect.gather [hbm4b:s1+s14], $0x80, s28, s14, $0xb8;
	[tilespmem:$0x1B000] =	vst v63  }
0x52: {  	_ =	swait.ge [sflag:s17], $0x4000  }
0x53: {  	[sflag:s17] =	ssyncset.done $0x0  }
0x54: {  	s29 =	simm.s32 $0x2800;
	[sflag:s17] =	ssyncadd.s32 $0xFFFFC000  }
0x55: {  	[spmem:s3] =	stream.indirect.scatter.add.f32 [tilespmem:s15], [sflag:$0x3], $0x80, s29, s14, $0xb8;
	[tilespmem:$0x1B000] =	vst v63  }
0x56: {  	_ =	swait.ge [sflag:s12], $0x4000  }
0x57: {  	[sflag:s12] =	ssyncset.done $0x0  }
0x58: {  	s30 =	simm.s32 $0x100;
	[sflag:s12] =	ssyncadd.s32 $0xFFFFC000  }
0x59: {  	[tilespmem:s15], [sflag:$0x1] =	stream.indirect.gather [hbm4b:s1+s14], $0x80, s30, s14, $0xb8;
	[tilespmem:$0x1B000] =	vst v63  }
0x5a: {  	_ =	swait.ge [sflag:s18], $0x4000  }
0x5b: {  	[sflag:s18] =	ssyncset.done $0x0  }
0x5c: {  	s31 =	simm.s32 $0x2880;
	[sflag:s18] =	ssyncadd.s32 $0xFFFFC000  }
0x5d: {  	[spmem:s3] =	stream.indirect.scatter.add.f32 [tilespmem:s16], [sflag:$0x3], $0x80, s31, s14, $0xb8;
	[tilespmem:$0x1B000] =	vst v63  }
0x5e: {  	_ =	swait.ge [sflag:s12], $0x4000  }
0x5f: {  	s25 =	simm.s32 $0x100;
	s26 =	simm.s32 $0x800;
	[sflag:s12] =	ssyncset.done $0x0  }
.LBB2_4:
0x60: {  	s28 =	sadd.s32 $0x80, s25  }
0x61: {  	[sflag:s12] =	ssyncadd.s32 $0xFFFFC000;
	s29 =	smov.u32 s26;
	s30 =	sadd.s32 $0x400, s26  }
0x62: {  	[tilespmem:s16], [sflag:$0x2] =	stream.indirect.gather [hbm4b:s1+s14], $0x80, s28, s14, $0xb8;
	[tilespmem:$0x1B000] =	vst v63  }
0x63: {  	p0 =	sne.s32 s26, $0x9800;
	_ =	swait.ge [sflag:s17], $0x4000  }
0x64: {  	[sflag:s17] =	ssyncset.done $0x0  }
0x65: {  	s26 =	sadd.s32 $0x2800, s25;
	[sflag:s17] =	ssyncadd.s32 $0xFFFFC000  }
0x66: {  	[spmem:s3] =	stream.indirect.scatter.add.f32 [tilespmem:s15], [sflag:$0x3], $0x80, s26, s14, $0xb8;
	[tilespmem:$0x1B000] =	vst v63  }
0x67: {  	_ =	swait.ge [sflag:s12], $0x4000  }
0x68: {  	[sflag:s12] =	ssyncset.done $0x0  }
0x69: {  	s26 =	sadd.s32 $0x100, s25;
	[sflag:s12] =	ssyncadd.s32 $0xFFFFC000  }
0x6a: {  	[tilespmem:s15], [sflag:$0x1] =	stream.indirect.gather [hbm4b:s1+s14], $0x80, s26, s14, $0xb8;
	[tilespmem:$0x1B000] =	vst v63  }
0x6b: {  	_ =	swait.ge [sflag:s18], $0x4000  }
.Ltmp1:
0x6c: {  	[sflag:s18] =	ssyncset.done $0x0;
	(pc) =	sbr.rel @p0 .LBB2_4-.Ltmp1, $4  }
0x6d: {  	s25 =	sadd.s32 $0x2880, s25;
	[sflag:s18] =	ssyncadd.s32 $0xFFFFC000  }
0x6e: {  	[spmem:s3] =	stream.indirect.scatter.add.f32 [tilespmem:s16], [sflag:$0x3], $0x80, s25, s14, $0xb8;
	[tilespmem:$0x1B000] =	vst v63  }
0x6f: {  	_ =	swait.ge [sflag:s12], $0x4000  }
0x70: {  	s26 =	smov.u32 s30;
	s25 =	sshra.s32 s29, $0x2;
	[sflag:s12] =	ssyncset.done $0x0  }
0x71: {  	s26 =	sadd.s32 $0x80, s25;
	[sflag:s12] =	ssyncadd.s32 $0xFFFFC000  }
0x72: {  	[tilespmem:s16], [sflag:$0x2] =	stream.indirect.gather [hbm4b:s1+s14], $0x80, s26, s14, $0xb8;
	[tilespmem:$0x1B000] =	vst v63  }
0x73: {  	_ =	swait.ge [sflag:s17], $0x4000  }
0x74: {  	[sflag:s17] =	ssyncset.done $0x0  }
0x75: {  	s29 =	sadd.s32 $0x2800, s25;
	[sflag:s17] =	ssyncadd.s32 $0xFFFFC000  }
0x76: {  	[spmem:s3] =	stream.indirect.scatter.add.f32 [tilespmem:s15], [sflag:$0x3], $0x80, s29, s14, $0xb8;
	[tilespmem:$0x1B000] =	vst v63  }
0x77: {  	_ =	swait.ge [sflag:s12], $0x4000  }
0x78: {  	[sflag:s12] =	ssyncset.done $0x0  }
0x79: {  	s30 =	sadd.s32 $0x100, s25;
	[sflag:s12] =	ssyncadd.s32 $0xFFFFC000  }
0x7a: {  	[tilespmem:s15], [sflag:$0x1] =	stream.indirect.gather [hbm4b:s1+s14], $0x80, s30, s14, $0xb8;
	[tilespmem:$0x1B000] =	vst v63  }
0x7b: {  	_ =	swait.ge [sflag:s18], $0x4000  }
0x7c: {  	[sflag:s18] =	ssyncset.done $0x0  }
0x7d: {  	s31 =	sadd.s32 $0x2880, s25;
	[sflag:s18] =	ssyncadd.s32 $0xFFFFC000  }
0x7e: {  	[spmem:s3] =	stream.indirect.scatter.add.f32 [tilespmem:s16], [sflag:$0x3], $0x80, s31, s14, $0xb8;
	[tilespmem:$0x1B000] =	vst v63  }
0x7f: {  	_ =	swait.ge [sflag:s12], $0x4000  }
0x80: {  	[sflag:s12] =	ssyncset.done $0x0  }
0x81: {  	[sflag:s12] =	ssyncadd.s32 $0xFFFFC000  }
0x82: {  	[tilespmem:s16], [sflag:$0x2] =	stream.indirect.gather [hbm4b:s1+s14], $0x80, s19, s14, $0xb8;
	[tilespmem:$0x1B000] =	vst v63  }
0x83: {  	_ =	swait.ge [sflag:s17], $0x4000  }
0x84: {  	[sflag:s17] =	ssyncset.done $0x0  }
0x85: {  	[sflag:s17] =	ssyncadd.s32 $0xFFFFC000  }
0x86: {  	[spmem:s3] =	stream.indirect.scatter.add.f32 [tilespmem:s15], [sflag:$0x3], $0x80, s20, s14, $0xb8;
	[tilespmem:$0x1B000] =	vst v63  }
0x87: {  	_ =	swait.ge [sflag:s12], $0x4000  }
0x88: {  	[sflag:s12] =	ssyncset.done $0x0  }
0x89: {  	[sflag:s12] =	ssyncadd.s32 $0xFFFFC000  }
0x8a: {  	_ =	swait.ge [sflag:s18], $0x4000  }
0x8b: {  	[sflag:s18] =	ssyncset.done $0x0  }
0x8c: {  	[sflag:s18] =	ssyncadd.s32 $0xFFFFC000  }
0x8d: {  	[spmem:s3] =	stream.indirect.scatter.add.f32 [tilespmem:s16], [sflag:$0x3], $0x80, s21, s14, $0xb8;
	[tilespmem:$0x1B000] =	vst v63  }
0x8e: {  	_ =	swait.ge [sflag:s12], $0x4000  }
0x8f: {  	s24 =	sadd.s32 $0x1, s24;
	[sflag:s12] =	ssyncset.done $0x0  }
0x90: {  	p0 =	sne.s32 s24, s11;
	[sflag:s12] =	ssyncadd.s32 $0xFFFFC000  }
.Ltmp2:
0x91: {  	[bflag:$0x0] =	sbarrier.arrive $0xFFFF;
	(pc) =	sbr.rel @p0 .LBB2_1-.Ltmp2, $4  }
0x92: {  	[hbm:s10], [sflag:s22] =	dma.local [spmem:s23], $0x1400  }
0x93: {  	_ =	swait.ge [sflag:s12], $0x1400  }
0x94: {  	[sflag:s12] =	ssyncset.done $0x0  }
0x95: {  	[sflag:s12] =	ssyncadd.s32 $0xFFFFEC00  }
0x96: {  	_ =	sfence.sel $0x180000  }
0x97: {  	[bflag:$0x0] =	sbarrier.arrive $0xFFFF  }
0x98: {  	p0 =	sne.s32 s2, $0x0;
	_ =	strace $0x90000047  }
0x99: {  	s0 =	sadd.s32 @!p0 $0x100000, s0;
	[bflag:$0x2] =	sbarrier.arrive $0xFFFF  }
0x9a: {  	[sflag:s0] =	ssyncadd.tile.s32 @!p0 $0x1;
	_ =	shalt  }
.Lfunc_end2:
_tile_overlayer_lowered:
.L_overlay_start_2:
0x9b: {  	(tag) =	ssettag $0x2  }
0x9c: {  	s0 =	rddreg [dreg:$0x0];
	s2 =	stileid.u32  }
0x9d: {  	s1 =	rddreg [dreg:$0x1];
	p0 =	sne.s32 s2, $0x0  }
0x9e: {  	s3 =	rddreg [dreg:$0x2];
	[bflag:$0x3] =	sbarrier.arrive $0xFFFF;
	s2 =	simm.s32 @!p0 $0x1C03  }
0x9f: {  	[timem:s3], [sflag:s2] =	dma.local @!p0 [hbm:s0], s1  }
0xa0: {  	s0 =	simm.s32 @!p0 $0x3  }
0xa1: {  	_ =	swait.ge @!p0 [sflag:s0], s1  }
0xa2: {  	s1 =	ssub.s32 @!p0 $0x0, s1;
	[sflag:s0] =	ssyncset.done @!p0 $0x0  }
0xa3: {  	[sflag:s0] =	ssyncadd.s32 @!p0 s1  }
0xa4: {  	[bflag:$0x3] =	sbarrier.arrive $0xFFFF  }
0xa5: {  	_ =	shalt  }

</sc_bundles>
